<compile_context>
chip_gen: v7x
topology: tpu7x:2x2x1
jax: 0.10.2.dev20260603
libtpu: 0.0.44.dev20260713+nightly
codegen_flags: <defaults>
</compile_context>

<pallas_src>
import functools

import jax
import jax.numpy as jnp
from jax import lax
from jax.experimental import pallas as pl
from jax.experimental.pallas import tpu as pltpu
from jax.experimental.pallas import tpu_sc as plsc

_TN = 16000
_N = 320000


def _stats1_kernel(p_ref, w1_ref, sum_ref, sq_ref, z1t_ref):
    z1 = jnp.dot(p_ref[...], w1_ref[...], preferred_element_type=jnp.float32)
    z1t_ref[0] = z1.astype(jnp.bfloat16).T
    s = jnp.sum(z1, axis=0, keepdims=True)
    q = jnp.sum(z1 * z1, axis=0, keepdims=True)

    @pl.when(pl.program_id(0) == 0)
    def _init():
        sum_ref[...] = jnp.broadcast_to(s, sum_ref.shape)
        sq_ref[...] = jnp.broadcast_to(q, sq_ref.shape)

    @pl.when(pl.program_id(0) != 0)
    def _acc():
        sum_ref[...] += jnp.broadcast_to(s, sum_ref.shape)
        sq_ref[...] += jnp.broadcast_to(q, sq_ref.shape)


def _pass2_kernel(z1t_ref, w2r_ref, sum1_ref, sq1_ref, g1_ref, be1_ref,
                  sum_ref, sq_ref, z2_ref, scale_ref, shift_ref):
    @pl.when(pl.program_id(0) == 0)
    def _prep():
        inv_n = 1.0 / jnp.float32(_N)
        mean1 = sum1_ref[0:1, :] * inv_n
        var1 = sq1_ref[0:1, :] * inv_n - mean1 * mean1
        inv1 = g1_ref[...] * jax.lax.rsqrt(var1 + 1e-5)
        scale_ref[...] = inv1.T
        shift_ref[...] = (be1_ref[...] - mean1 * inv1).T

    z1t = z1t_ref[0].astype(jnp.float32)
    h = jnp.maximum(z1t * scale_ref[...] + shift_ref[...], 0.0)
    z2 = jnp.dot(w2r_ref[...], h, preferred_element_type=jnp.float32)
    z2_ref[pl.ds(pl.program_id(0) * _TN, _TN)] = z2.reshape((_TN,))
    s = jnp.sum(z2)
    q = jnp.sum(z2 * z2)

    @pl.when(pl.program_id(0) == 0)
    def _init():
        sum_ref[...] = jnp.full(sum_ref.shape, s, jnp.float32)
        sq_ref[...] = jnp.full(sq_ref.shape, q, jnp.float32)

    @pl.when(pl.program_id(0) != 0)
    def _acc():
        sum_ref[...] += jnp.full(sum_ref.shape, s, jnp.float32)
        sq_ref[...] += jnp.full(sq_ref.shape, q, jnp.float32)


def _make_seg_max(n):
    info = plsc.get_sparse_core_info()
    nw = info.num_cores * info.num_subcores
    chunk = n // nw
    mesh = plsc.VectorSubcoreMesh(core_axis_name="c", subcore_axis_name="s")

    @functools.partial(
        pl.kernel,
        out_type=jax.ShapeDtypeStruct((nw, 16), jnp.float32),
        mesh=mesh,
        scratch_types=[
            pltpu.VMEM((chunk + 16,), jnp.int32),
            pltpu.VMEM((chunk,), jnp.float32),
            pltpu.VMEM((16,), jnp.float32),
            pltpu.SemaphoreType.DMA,
            pltpu.SemaphoreType.DMA,
        ],
    )
    def seg_max(idx_hbm, z2_hbm, out_hbm, idx_v, z2_v, res_v, sem1, sem2):
        wid = lax.axis_index("s") * info.num_cores + lax.axis_index("c")
        base = wid * chunk
        cp1 = pltpu.async_copy(idx_hbm.at[pl.ds(base, chunk + 16)], idx_v, sem1)
        cp2 = pltpu.async_copy(z2_hbm.at[pl.ds(base, chunk)], z2_v, sem2)
        cp1.wait()
        cp2.wait()

        unroll = 25

        def body(k, m):
            for j in range(unroll):
                o = (k * unroll + j) * 16
                a = idx_v[pl.ds(o, 16)]
                b = idx_v[pl.ds(o + 1, 16)]
                z = z2_v[pl.ds(o, 16)]
                m = jnp.maximum(m, jnp.where(a != b, z, -jnp.inf))
            return m

        m = lax.fori_loop(0, chunk // (16 * unroll), body,
                          jnp.full((16,), -jnp.inf, jnp.float32))
        res_v[...] = m
        pltpu.sync_copy(res_v, out_hbm.at[wid])

    return seg_max


@jax.jit
def kernel(points, inverse_indices, W1, b1, gamma1, beta1,
           W2, b2, gamma2, beta2):
    n, d_in = points.shape
    f1 = W1.shape[1]
    tiles = n // _TN
    eps = 1e-5

    sum1, sq1, z1t = pl.pallas_call(
        _stats1_kernel,
        grid=(tiles,),
        in_specs=[
            pl.BlockSpec((_TN, d_in), lambda i: (i, 0)),
            pl.BlockSpec((d_in, f1), lambda i: (0, 0)),
        ],
        out_specs=[
            pl.BlockSpec((8, f1), lambda i: (0, 0)),
            pl.BlockSpec((8, f1), lambda i: (0, 0)),
            pl.BlockSpec((1, f1, _TN), lambda i: (i, 0, 0)),
        ],
        out_shape=[
            jax.ShapeDtypeStruct((8, f1), jnp.float32),
            jax.ShapeDtypeStruct((8, f1), jnp.float32),
            jax.ShapeDtypeStruct((tiles, f1, _TN), jnp.bfloat16),
        ],
    )(points, W1)

    w2r = W2[:, 0].reshape(1, f1)
    g1 = gamma1.reshape(1, f1)
    be1 = beta1.reshape(1, f1)

    sum2, sq2, z2_flat = pl.pallas_call(
        _pass2_kernel,
        grid=(tiles,),
        in_specs=[
            pl.BlockSpec((1, f1, _TN), lambda i: (i, 0, 0)),
            pl.BlockSpec((1, f1), lambda i: (0, 0)),
            pl.BlockSpec((8, f1), lambda i: (0, 0)),
            pl.BlockSpec((8, f1), lambda i: (0, 0)),
            pl.BlockSpec((1, f1), lambda i: (0, 0)),
            pl.BlockSpec((1, f1), lambda i: (0, 0)),
        ],
        scratch_shapes=[
            pltpu.VMEM((f1, 1), jnp.float32),
            pltpu.VMEM((f1, 1), jnp.float32),
        ],
        out_specs=[
            pl.BlockSpec((8, 128), lambda i: (0, 0)),
            pl.BlockSpec((8, 128), lambda i: (0, 0)),
            pl.BlockSpec((_N,), lambda i: (0,)),
        ],
        out_shape=[
            jax.ShapeDtypeStruct((8, 128), jnp.float32),
            jax.ShapeDtypeStruct((8, 128), jnp.float32),
            jax.ShapeDtypeStruct((n,), jnp.float32),
        ],
    )(z1t, w2r, sum1, sq1, g1, be1)

    idx_ext = jnp.concatenate(
        [inverse_indices, jnp.full((16,), -1, jnp.int32)])
    partials = _make_seg_max(n)(idx_ext, z2_flat)

    mean2 = sum2[0, 0] / n
    var2 = sq2[0, 0] / n - mean2 * mean2
    m = jnp.max(partials)
    out = (m - mean2) / jnp.sqrt(var2 + eps) * gamma2[0] + beta2[0]
    return jnp.maximum(out, 0.0)

# --- scband reference (transcript-rebuilt; emitter-appended) ---
"""Pipeline reference for scband-dynamic-point-net-39298950758927 (READ-ONLY COPY).

The authoritative reference and input builder live on the scoring server;
editing this copy changes nothing except your own understanding.
"""

import jax, jax.numpy as jnp
import numpy as np

N = 320000
D_IN = 128
F1 = 128
F2 = 128
N_SEG = 10000


def _bn_train(h, gamma, beta, eps=1e-5):
    # torch.nn.BatchNorm1d in training mode: biased batch stats
    mean = jnp.mean(h, axis=0)
    var = jnp.var(h, axis=0)
    return (h - mean) / jnp.sqrt(var + eps) * gamma + beta


def setup_inputs(seed: int = 0) -> dict:
    key = jax.random.key(seed)
    ks = jax.random.split(key, 8)
    points = jax.random.normal(ks[0], (N, D_IN), dtype=jnp.float32)
    inverse_indices = jnp.sort(jax.random.randint(ks[1], (N,), 0, N_SEG, dtype=jnp.int32))
    W1 = jax.random.normal(ks[2], (D_IN, F1), dtype=jnp.float32) * 0.05
    b1 = jnp.zeros((F1,), jnp.float32)
    gamma1 = jnp.ones((F1,), jnp.float32)
    beta1 = jnp.zeros((F1,), jnp.float32)
    W2 = jax.random.normal(ks[3], (F1, F2), dtype=jnp.float32) * 0.05
    b2 = jnp.zeros((F2,), jnp.float32)
    gamma2 = jnp.ones((F2,), jnp.float32)
    beta2 = jnp.zeros((F2,), jnp.float32)
    return {
        'points': points,
        'inverse_indices': inverse_indices,
        'W1': W1, 'b1': b1, 'gamma1': gamma1, 'beta1': beta1,
        'W2': W2, 'b2': b2, 'gamma2': gamma2, 'beta2': beta2,
    }


def reference(points, inverse_indices, W1, b1, gamma1, beta1, W2, b2, gamma2, beta2):
    # MLP: Linear -> BatchNorm1d(train) -> ReLU, twice
    h = points @ W1 + b1
    h = jnp.maximum(_bn_train(h, gamma1, beta1), 0.0)
    h = h @ W2 + b2
    feat = jnp.maximum(_bn_train(h, gamma2, beta2), 0.0)
    # scatter_max as written in the torch module:
    # output = full_like(feat, -inf); output.scatter_(0, expanded_index, feat); max over dim 0
    out = jnp.full_like(feat, -jnp.inf).at[inverse_indices].set(feat)
    max_result = jnp.max(out, axis=0)  # shape [F2]
    # forward does scatter_max(...)[0] -> indexes element 0 of max_result (scalar)
    return max_result[0]

if __name__ == "__main__":
    import jax
    _d = setup_inputs()
    print(jax.jit(kernel)(*tuple(_d.values())))

</pallas_src>

<mosaic_0001>
#map = affine_map<(d0, d1) -> (0)>
#map1 = affine_map<(d0, d1) -> (0, 0)>
module attributes {stable_mosaic.version = 14 : i64} {
  func.func @seg_max(%arg0: i32, %arg1: i32, %arg2: memref<320016xi32, #tpu.memory_space<hbm>>, %arg3: memref<320000xf32, #tpu.memory_space<hbm>>, %arg4: memref<32x16xf32, #tpu.memory_space<hbm>>, %arg5: memref<10016xi32, #tpu.memory_space<vmem>>, %arg6: memref<10000xf32, #tpu.memory_space<vmem>>, %arg7: memref<16xf32, #tpu.memory_space<vmem>>, %arg8: memref<!tpu.dma_semaphore, #tpu.memory_space<semaphore_mem>>, %arg9: memref<!tpu.dma_semaphore, #tpu.memory_space<semaphore_mem>>) attributes {dimension_semantics = [#tpu.dimension_semantics<core_parallel>, #tpu.dimension_semantics<subcore_parallel>], iteration_bounds = array<i64: 2, 16>, scalar_prefetch = 0 : i64, scratch_operands = 5 : i64, tpu.core_type = #tpu.core_type<sc_vector_subcore>, window_params = [{transform_indices = #map}, {transform_indices = #map}, {transform_indices = #map1}]} {
    %mul3A = arith.constant 2 : i32
    %mul3A_0 = arith.muli %arg1, %mul3A : i32
    %add3A = arith.addi %mul3A_0, %arg0 : i32
    %mul3A_1 = arith.constant 10000 : i32
    %mul3A_2 = arith.muli %add3A, %mul3A_1 : i32
    %dma_start3A = tpu.memref_slice %arg2[%mul3A_2] : memref<320016xi32, #tpu.memory_space<hbm>> -> memref<10016xi32, #tpu.memory_space<hbm>>
    %dma_start3A_3 = tpu.memref_slice %arg2[%mul3A_2] : memref<320016xi32, #tpu.memory_space<hbm>> -> memref<10016xi32, #tpu.memory_space<hbm>>
    tpu.enqueue_dma source(%dma_start3A_3 : memref<10016xi32, #tpu.memory_space<hbm>>) target(%arg5 : memref<10016xi32, #tpu.memory_space<vmem>>) target_semaphore(%arg8 : memref<!tpu.dma_semaphore, #tpu.memory_space<semaphore_mem>>)
    %dma_start3A_4 = tpu.memref_slice %arg3[%mul3A_2] : memref<320000xf32, #tpu.memory_space<hbm>> -> memref<10000xf32, #tpu.memory_space<hbm>>
    %dma_start3A_5 = tpu.memref_slice %arg3[%mul3A_2] : memref<320000xf32, #tpu.memory_space<hbm>> -> memref<10000xf32, #tpu.memory_space<hbm>>
    tpu.enqueue_dma source(%dma_start3A_5 : memref<10000xf32, #tpu.memory_space<hbm>>) target(%arg6 : memref<10000xf32, #tpu.memory_space<vmem>>) target_semaphore(%arg9 : memref<!tpu.dma_semaphore, #tpu.memory_space<semaphore_mem>>)
    %dma_wait3A = tpu.memref_slice %arg2[%mul3A_2] : memref<320016xi32, #tpu.memory_space<hbm>> -> memref<10016xi32, #tpu.memory_space<hbm>>
    %dma_wait3A_6 = tpu.memref_slice %arg2[%mul3A_2] : memref<320016xi32, #tpu.memory_space<hbm>> -> memref<10016xi32, #tpu.memory_space<hbm>>
    tpu.wait_dma2 semaphore(%arg8 : memref<!tpu.dma_semaphore, #tpu.memory_space<semaphore_mem>>) src(%dma_wait3A_6 : memref<10016xi32, #tpu.memory_space<hbm>>) dst(%arg5 : memref<10016xi32, #tpu.memory_space<vmem>>)
    %dma_wait3A_7 = tpu.memref_slice %arg3[%mul3A_2] : memref<320000xf32, #tpu.memory_space<hbm>> -> memref<10000xf32, #tpu.memory_space<hbm>>
    %dma_wait3A_8 = tpu.memref_slice %arg3[%mul3A_2] : memref<320000xf32, #tpu.memory_space<hbm>> -> memref<10000xf32, #tpu.memory_space<hbm>>
    tpu.wait_dma2 semaphore(%arg9 : memref<!tpu.dma_semaphore, #tpu.memory_space<semaphore_mem>>) src(%dma_wait3A_8 : memref<10000xf32, #tpu.memory_space<hbm>>) dst(%arg6 : memref<10000xf32, #tpu.memory_space<vmem>>)
    %broadcast_in_dim3A = arith.constant 0xFF800000 : f32
    %broadcast_in_dim3A_9 = vector.broadcast %broadcast_in_dim3A : f32 to vector<16xf32>
    %scan3A = arith.constant 0 : i32
    %scan3A_10 = arith.constant 25 : i32
    %scan3A_11 = arith.addi %scan3A, %scan3A_10 : i32
    %scan3A_12 = arith.constant 1 : i32
    %scan3A_13 = scf.for %scan3A_18 = %scan3A to %scan3A_11 step %scan3A_12 iter_args(%scan3A_19 = %broadcast_in_dim3A_9) -> (vector<16xf32>)  : i32 {
      %mul3A_20 = arith.constant 25 : i32
      %mul3A_21 = arith.muli %scan3A_18, %mul3A_20 : i32
      %add3A_22 = arith.constant 0 : i32
      %add3A_23 = arith.addi %mul3A_21, %add3A_22 : i32
      %mul3A_24 = arith.constant 16 : i32
      %mul3A_25 = arith.muli %add3A_23, %mul3A_24 : i32
      %get3A = arith.index_cast %mul3A_25 : i32 to index
      %get3A_26 = tpu.vector_load %arg5[%get3A] {strides = array<i32>} : memref<10016xi32, #tpu.memory_space<vmem>>, vector<16xi32>,
      %get3A_27 = vector.shape_cast %get3A_26 : vector<16xi32> to vector<16xi32>
      %add3A_28 = arith.constant 1 : i32
      %add3A_29 = arith.addi %mul3A_25, %add3A_28 : i32
      %get3A_30 = arith.index_cast %add3A_29 : i32 to index
      %get3A_31 = tpu.vector_load %arg5[%get3A_30] {strides = array<i32>} : memref<10016xi32, #tpu.memory_space<vmem>>, vector<16xi32>,
      %get3A_32 = vector.shape_cast %get3A_31 : vector<16xi32> to vector<16xi32>
      %get3A_33 = arith.index_cast %mul3A_25 : i32 to index
      %get3A_34 = tpu.vector_load %arg6[%get3A_33] {strides = array<i32>} : memref<10000xf32, #tpu.memory_space<vmem>>, vector<16xf32>,
      %get3A_35 = vector.shape_cast %get3A_34 : vector<16xf32> to vector<16xf32>
      %ne3A = arith.cmpi ne, %get3A_27, %get3A_32 : vector<16xi32>
      %jit3A = arith.constant 0xFF800000 : f32
      %broadcast_in_dim3A_36 = vector.broadcast %jit3A : f32 to vector<16xf32>
      %select_n3A = arith.select %ne3A, %get3A_35, %broadcast_in_dim3A_36 : vector<16xi1>, vector<16xf32>
      %max3A = arith.maximumf %scan3A_19, %select_n3A : vector<16xf32>
      %mul3A_37 = arith.constant 25 : i32
      %mul3A_38 = arith.muli %scan3A_18, %mul3A_37 : i32
      %add3A_39 = arith.constant 1 : i32
      %add3A_40 = arith.addi %mul3A_38, %add3A_39 : i32
      %mul3A_41 = arith.constant 16 : i32
      %mul3A_42 = arith.muli %add3A_40, %mul3A_41 : i32
      %get3A_43 = arith.index_cast %mul3A_42 : i32 to index
      %get3A_44 = tpu.vector_load %arg5[%get3A_43] {strides = array<i32>} : memref<10016xi32, #tpu.memory_space<vmem>>, vector<16xi32>,
      %get3A_45 = vector.shape_cast %get3A_44 : vector<16xi32> to vector<16xi32>
      %add3A_46 = arith.constant 1 : i32
      %add3A_47 = arith.addi %mul3A_42, %add3A_46 : i32
      %get3A_48 = arith.index_cast %add3A_47 : i32 to index
      %get3A_49 = tpu.vector_load %arg5[%get3A_48] {strides = array<i32>} : memref<10016xi32, #tpu.memory_space<vmem>>, vector<16xi32>,
      %get3A_50 = vector.shape_cast %get3A_49 : vector<16xi32> to vector<16xi32>
      %get3A_51 = arith.index_cast %mul3A_42 : i32 to index
      %get3A_52 = tpu.vector_load %arg6[%get3A_51] {strides = array<i32>} : memref<10000xf32, #tpu.memory_space<vmem>>, vector<16xf32>,
      %get3A_53 = vector.shape_cast %get3A_52 : vector<16xf32> to vector<16xf32>
      %ne3A_54 = arith.cmpi ne, %get3A_45, %get3A_50 : vector<16xi32>
      %jit3A_55 = arith.constant 0xFF800000 : f32
      %broadcast_in_dim3A_56 = vector.broadcast %jit3A_55 : f32 to vector<16xf32>
      %select_n3A_57 = arith.select %ne3A_54, %get3A_53, %broadcast_in_dim3A_56 : vector<16xi1>, vector<16xf32>
      %max3A_58 = arith.maximumf %max3A, %select_n3A_57 : vector<16xf32>
      %mul3A_59 = arith.constant 25 : i32
      %mul3A_60 = arith.muli %scan3A_18, %mul3A_59 : i32
      %add3A_61 = arith.constant 2 : i32
      %add3A_62 = arith.addi %mul3A_60, %add3A_61 : i32
      %mul3A_63 = arith.constant 16 : i32
      %mul3A_64 = arith.muli %add3A_62, %mul3A_63 : i32
      %get3A_65 = arith.index_cast %mul3A_64 : i32 to index
      %get3A_66 = tpu.vector_load %arg5[%get3A_65] {strides = array<i32>} : memref<10016xi32, #tpu.memory_space<vmem>>, vector<16xi32>,
      %get3A_67 = vector.shape_cast %get3A_66 : vector<16xi32> to vector<16xi32>
      %add3A_68 = arith.constant 1 : i32
      %add3A_69 = arith.addi %mul3A_64, %add3A_68 : i32
      %get3A_70 = arith.index_cast %add3A_69 : i32 to index
      %get3A_71 = tpu.vector_load %arg5[%get3A_70] {strides = array<i32>} : memref<10016xi32, #tpu.memory_space<vmem>>, vector<16xi32>,
      %get3A_72 = vector.shape_cast %get3A_71 : vector<16xi32> to vector<16xi32>
      %get3A_73 = arith.index_cast %mul3A_64 : i32 to index
      %get3A_74 = tpu.vector_load %arg6[%get3A_73] {strides = array<i32>} : memref<10000xf32, #tpu.memory_space<vmem>>, vector<16xf32>,
      %get3A_75 = vector.shape_cast %get3A_74 : vector<16xf32> to vector<16xf32>
      %ne3A_76 = arith.cmpi ne, %get3A_67, %get3A_72 : vector<16xi32>
      %jit3A_77 = arith.constant 0xFF800000 : f32
      %broadcast_in_dim3A_78 = vector.broadcast %jit3A_77 : f32 to vector<16xf32>
      %select_n3A_79 = arith.select %ne3A_76, %get3A_75, %broadcast_in_dim3A_78 : vector<16xi1>, vector<16xf32>
      %max3A_80 = arith.maximumf %max3A_58, %select_n3A_79 : vector<16xf32>
      %mul3A_81 = arith.constant 25 : i32
      %mul3A_82 = arith.muli %scan3A_18, %mul3A_81 : i32
      %add3A_83 = arith.constant 3 : i32
      %add3A_84 = arith.addi %mul3A_82, %add3A_83 : i32
      %mul3A_85 = arith.constant 16 : i32
      %mul3A_86 = arith.muli %add3A_84, %mul3A_85 : i32
      %get3A_87 = arith.index_cast %mul3A_86 : i32 to index
      %get3A_88 = tpu.vector_load %arg5[%get3A_87] {strides = array<i32>} : memref<10016xi32, #tpu.memory_space<vmem>>, vector<16xi32>,
      %get3A_89 = vector.shape_cast %get3A_88 : vector<16xi32> to vector<16xi32>
      %add3A_90 = arith.constant 1 : i32
      %add3A_91 = arith.addi %mul3A_86, %add3A_90 : i32
      %get3A_92 = arith.index_cast %add3A_91 : i32 to index
      %get3A_93 = tpu.vector_load %arg5[%get3A_92] {strides = array<i32>} : memref<10016xi32, #tpu.memory_space<vmem>>, vector<16xi32>,
      %get3A_94 = vector.shape_cast %get3A_93 : vector<16xi32> to vector<16xi32>
      %get3A_95 = arith.index_cast %mul3A_86 : i32 to index
      %get3A_96 = tpu.vector_load %arg6[%get3A_95] {strides = array<i32>} : memref<10000xf32, #tpu.memory_space<vmem>>, vector<16xf32>,
      %get3A_97 = vector.shape_cast %get3A_96 : vector<16xf32> to vector<16xf32>
      %ne3A_98 = arith.cmpi ne, %get3A_89, %get3A_94 : vector<16xi32>
      %jit3A_99 = arith.constant 0xFF800000 : f32
      %broadcast_in_dim3A_100 = vector.broadcast %jit3A_99 : f32 to vector<16xf32>
      %select_n3A_101 = arith.select %ne3A_98, %get3A_97, %broadcast_in_dim3A_100 : vector<16xi1>, vector<16xf32>
      %max3A_102 = arith.maximumf %max3A_80, %select_n3A_101 : vector<16xf32>
      %mul3A_103 = arith.constant 25 : i32
      %mul3A_104 = arith.muli %scan3A_18, %mul3A_103 : i32
      %add3A_105 = arith.constant 4 : i32
      %add3A_106 = arith.addi %mul3A_104, %add3A_105 : i32
      %mul3A_107 = arith.constant 16 : i32
      %mul3A_108 = arith.muli %add3A_106, %mul3A_107 : i32
      %get3A_109 = arith.index_cast %mul3A_108 : i32 to index
      %get3A_110 = tpu.vector_load %arg5[%get3A_109] {strides = array<i32>} : memref<10016xi32, #tpu.memory_space<vmem>>, vector<16xi32>,
      %get3A_111 = vector.shape_cast %get3A_110 : vector<16xi32> to vector<16xi32>
      %add3A_112 = arith.constant 1 : i32
      %add3A_113 = arith.addi %mul3A_108, %add3A_112 : i32
      %get3A_114 = arith.index_cast %add3A_113 : i32 to index
      %get3A_115 = tpu.vector_load %arg5[%get3A_114] {strides = array<i32>} : memref<10016xi32, #tpu.memory_space<vmem>>, vector<16xi32>,
      %get3A_116 = vector.shape_cast %get3A_115 : vector<16xi32> to vector<16xi32>
      %get3A_117 = arith.index_cast %mul3A_108 : i32 to index
      %get3A_118 = tpu.vector_load %arg6[%get3A_117] {strides = array<i32>} : memref<10000xf32, #tpu.memory_space<vmem>>, vector<16xf32>,
      %get3A_119 = vector.shape_cast %get3A_118 : vector<16xf32> to vector<16xf32>
      %ne3A_120 = arith.cmpi ne, %get3A_111, %get3A_116 : vector<16xi32>
      %jit3A_121 = arith.constant 0xFF800000 : f32
      %broadcast_in_dim3A_122 = vector.broadcast %jit3A_121 : f32 to vector<16xf32>
      %select_n3A_123 = arith.select %ne3A_120, %get3A_119, %broadcast_in_dim3A_122 : vector<16xi1>, vector<16xf32>
      %max3A_124 = arith.maximumf %max3A_102, %select_n3A_123 : vector<16xf32>
      %mul3A_125 = arith.constant 25 : i32
      %mul3A_126 = arith.muli %scan3A_18, %mul3A_125 : i32
      %add3A_127 = arith.constant 5 : i32
      %add3A_128 = arith.addi %mul3A_126, %add3A_127 : i32
      %mul3A_129 = arith.constant 16 : i32
      %mul3A_130 = arith.muli %add3A_128, %mul3A_129 : i32
      %get3A_131 = arith.index_cast %mul3A_130 : i32 to index
      %get3A_132 = tpu.vector_load %arg5[%get3A_131] {strides = array<i32>} : memref<10016xi32, #tpu.memory_space<vmem>>, vector<16xi32>,
      %get3A_133 = vector.shape_cast %get3A_132 : vector<16xi32> to vector<16xi32>
      %add3A_134 = arith.constant 1 : i32
      %add3A_135 = arith.addi %mul3A_130, %add3A_134 : i32
      %get3A_136 = arith.index_cast %add3A_135 : i32 to index
      %get3A_137 = tpu.vector_load %arg5[%get3A_136] {strides = array<i32>} : memref<10016xi32, #tpu.memory_space<vmem>>, vector<16xi32>,
      %get3A_138 = vector.shape_cast %get3A_137 : vector<16xi32> to vector<16xi32>
      %get3A_139 = arith.index_cast %mul3A_130 : i32 to index
      %get3A_140 = tpu.vector_load %arg6[%get3A_139] {strides = array<i32>} : memref<10000xf32, #tpu.memory_space<vmem>>, vector<16xf32>,
      %get3A_141 = vector.shape_cast %get3A_140 : vector<16xf32> to vector<16xf32>
      %ne3A_142 = arith.cmpi ne, %get3A_133, %get3A_138 : vector<16xi32>
      %jit3A_143 = arith.constant 0xFF800000 : f32
      %broadcast_in_dim3A_144 = vector.broadcast %jit3A_143 : f32 to vector<16xf32>
      %select_n3A_145 = arith.select %ne3A_142, %get3A_141, %broadcast_in_dim3A_144 : vector<16xi1>, vector<16xf32>
      %max3A_146 = arith.maximumf %max3A_124, %select_n3A_145 : vector<16xf32>
      %mul3A_147 = arith.constant 25 : i32
      %mul3A_148 = arith.muli %scan3A_18, %mul3A_147 : i32
      %add3A_149 = arith.constant 6 : i32
      %add3A_150 = arith.addi %mul3A_148, %add3A_149 : i32
      %mul3A_151 = arith.constant 16 : i32
      %mul3A_152 = arith.muli %add3A_150, %mul3A_151 : i32
      %get3A_153 = arith.index_cast %mul3A_152 : i32 to index
      %get3A_154 = tpu.vector_load %arg5[%get3A_153] {strides = array<i32>} : memref<10016xi32, #tpu.memory_space<vmem>>, vector<16xi32>,
      %get3A_155 = vector.shape_cast %get3A_154 : vector<16xi32> to vector<16xi32>
      %add3A_156 = arith.constant 1 : i32
      %add3A_157 = arith.addi %mul3A_152, %add3A_156 : i32
      %get3A_158 = arith.index_cast %add3A_157 : i32 to index
      %get3A_159 = tpu.vector_load %arg5[%get3A_158] {strides = array<i32>} : memref<10016xi32, #tpu.memory_space<vmem>>, vector<16xi32>,
      %get3A_160 = vector.shape_cast %get3A_159 : vector<16xi32> to vector<16xi32>
      %get3A_161 = arith.index_cast %mul3A_152 : i32 to index
      %get3A_162 = tpu.vector_load %arg6[%get3A_161] {strides = array<i32>} : memref<10000xf32, #tpu.memory_space<vmem>>, vector<16xf32>,
      %get3A_163 = vector.shape_cast %get3A_162 : vector<16xf32> to vector<16xf32>
      %ne3A_164 = arith.cmpi ne, %get3A_155, %get3A_160 : vector<16xi32>
      %jit3A_165 = arith.constant 0xFF800000 : f32
      %broadcast_in_dim3A_166 = vector.broadcast %jit3A_165 : f32 to vector<16xf32>
      %select_n3A_167 = arith.select %ne3A_164, %get3A_163, %broadcast_in_dim3A_166 : vector<16xi1>, vector<16xf32>
      %max3A_168 = arith.maximumf %max3A_146, %select_n3A_167 : vector<16xf32>
      %mul3A_169 = arith.constant 25 : i32
      %mul3A_170 = arith.muli %scan3A_18, %mul3A_169 : i32
      %add3A_171 = arith.constant 7 : i32
      %add3A_172 = arith.addi %mul3A_170, %add3A_171 : i32
      %mul3A_173 = arith.constant 16 : i32
      %mul3A_174 = arith.muli %add3A_172, %mul3A_173 : i32
      %get3A_175 = arith.index_cast %mul3A_174 : i32 to index
      %get3A_176 = tpu.vector_load %arg5[%get3A_175] {strides = array<i32>} : memref<10016xi32, #tpu.memory_space<vmem>>, vector<16xi32>,
      %get3A_177 = vector.shape_cast %get3A_176 : vector<16xi32> to vector<16xi32>
      %add3A_178 = arith.constant 1 : i32
      %add3A_179 = arith.addi %mul3A_174, %add3A_178 : i32
      %get3A_180 = arith.index_cast %add3A_179 : i32 to index
      %get3A_181 = tpu.vector_load %arg5[%get3A_180] {strides = array<i32>} : memref<10016xi32, #tpu.memory_space<vmem>>, vector<16xi32>,
      %get3A_182 = vector.shape_cast %get3A_181 : vector<16xi32> to vector<16xi32>
      %get3A_183 = arith.index_cast %mul3A_174 : i32 to index
      %get3A_184 = tpu.vector_load %arg6[%get3A_183] {strides = array<i32>} : memref<10000xf32, #tpu.memory_space<vmem>>, vector<16xf32>,
      %get3A_185 = vector.shape_cast %get3A_184 : vector<16xf32> to vector<16xf32>
      %ne3A_186 = arith.cmpi ne, %get3A_177, %get3A_182 : vector<16xi32>
      %jit3A_187 = arith.constant 0xFF800000 : f32
      %broadcast_in_dim3A_188 = vector.broadcast %jit3A_187 : f32 to vector<16xf32>
      %select_n3A_189 = arith.select %ne3A_186, %get3A_185, %broadcast_in_dim3A_188 : vector<16xi1>, vector<16xf32>
      %max3A_190 = arith.maximumf %max3A_168, %select_n3A_189 : vector<16xf32>
      %mul3A_191 = arith.constant 25 : i32
      %mul3A_192 = arith.muli %scan3A_18, %mul3A_191 : i32
      %add3A_193 = arith.constant 8 : i32
      %add3A_194 = arith.addi %mul3A_192, %add3A_193 : i32
      %mul3A_195 = arith.constant 16 : i32
      %mul3A_196 = arith.muli %add3A_194, %mul3A_195 : i32
      %get3A_197 = arith.index_cast %mul3A_196 : i32 to index
      %get3A_198 = tpu.vector_load %arg5[%get3A_197] {strides = array<i32>} : memref<10016xi32, #tpu.memory_space<vmem>>, vector<16xi32>,
      %get3A_199 = vector.shape_cast %get3A_198 : vector<16xi32> to vector<16xi32>
      %add3A_200 = arith.constant 1 : i32
      %add3A_201 = arith.addi %mul3A_196, %add3A_200 : i32
      %get3A_202 = arith.index_cast %add3A_201 : i32 to index
      %get3A_203 = tpu.vector_load %arg5[%get3A_202] {strides = array<i32>} : memref<10016xi32, #tpu.memory_space<vmem>>, vector<16xi32>,
      %get3A_204 = vector.shape_cast %get3A_203 : vector<16xi32> to vector<16xi32>
      %get3A_205 = arith.index_cast %mul3A_196 : i32 to index
      %get3A_206 = tpu.vector_load %arg6[%get3A_205] {strides = array<i32>} : memref<10000xf32, #tpu.memory_space<vmem>>, vector<16xf32>,
      %get3A_207 = vector.shape_cast %get3A_206 : vector<16xf32> to vector<16xf32>
      %ne3A_208 = arith.cmpi ne, %get3A_199, %get3A_204 : vector<16xi32>
      %jit3A_209 = arith.constant 0xFF800000 : f32
      %broadcast_in_dim3A_210 = vector.broadcast %jit3A_209 : f32 to vector<16xf32>
      %select_n3A_211 = arith.select %ne3A_208, %get3A_207, %broadcast_in_dim3A_210 : vector<16xi1>, vector<16xf32>
      %max3A_212 = arith.maximumf %max3A_190, %select_n3A_211 : vector<16xf32>
      %mul3A_213 = arith.constant 25 : i32
      %mul3A_214 = arith.muli %scan3A_18, %mul3A_213 : i32
      %add3A_215 = arith.constant 9 : i32
      %add3A_216 = arith.addi %mul3A_214, %add3A_215 : i32
      %mul3A_217 = arith.constant 16 : i32
      %mul3A_218 = arith.muli %add3A_216, %mul3A_217 : i32
      %get3A_219 = arith.index_cast %mul3A_218 : i32 to index
      %get3A_220 = tpu.vector_load %arg5[%get3A_219] {strides = array<i32>} : memref<10016xi32, #tpu.memory_space<vmem>>, vector<16xi32>,
      %get3A_221 = vector.shape_cast %get3A_220 : vector<16xi32> to vector<16xi32>
      %add3A_222 = arith.constant 1 : i32
      %add3A_223 = arith.addi %mul3A_218, %add3A_222 : i32
      %get3A_224 = arith.index_cast %add3A_223 : i32 to index
      %get3A_225 = tpu.vector_load %arg5[%get3A_224] {strides = array<i32>} : memref<10016xi32, #tpu.memory_space<vmem>>, vector<16xi32>,
      %get3A_226 = vector.shape_cast %get3A_225 : vector<16xi32> to vector<16xi32>
      %get3A_227 = arith.index_cast %mul3A_218 : i32 to index
      %get3A_228 = tpu.vector_load %arg6[%get3A_227] {strides = array<i32>} : memref<10000xf32, #tpu.memory_space<vmem>>, vector<16xf32>,
      %get3A_229 = vector.shape_cast %get3A_228 : vector<16xf32> to vector<16xf32>
      %ne3A_230 = arith.cmpi ne, %get3A_221, %get3A_226 : vector<16xi32>
      %jit3A_231 = arith.constant 0xFF800000 : f32
      %broadcast_in_dim3A_232 = vector.broadcast %jit3A_231 : f32 to vector<16xf32>
      %select_n3A_233 = arith.select %ne3A_230, %get3A_229, %broadcast_in_dim3A_232 : vector<16xi1>, vector<16xf32>
      %max3A_234 = arith.maximumf %max3A_212, %select_n3A_233 : vector<16xf32>
      %mul3A_235 = arith.constant 25 : i32
      %mul3A_236 = arith.muli %scan3A_18, %mul3A_235 : i32
      %add3A_237 = arith.constant 10 : i32
      %add3A_238 = arith.addi %mul3A_236, %add3A_237 : i32
      %mul3A_239 = arith.constant 16 : i32
      %mul3A_240 = arith.muli %add3A_238, %mul3A_239 : i32
      %get3A_241 = arith.index_cast %mul3A_240 : i32 to index
      %get3A_242 = tpu.vector_load %arg5[%get3A_241] {strides = array<i32>} : memref<10016xi32, #tpu.memory_space<vmem>>, vector<16xi32>,
      %get3A_243 = vector.shape_cast %get3A_242 : vector<16xi32> to vector<16xi32>
      %add3A_244 = arith.constant 1 : i32
      %add3A_245 = arith.addi %mul3A_240, %add3A_244 : i32
      %get3A_246 = arith.index_cast %add3A_245 : i32 to index
      %get3A_247 = tpu.vector_load %arg5[%get3A_246] {strides = array<i32>} : memref<10016xi32, #tpu.memory_space<vmem>>, vector<16xi32>,
      %get3A_248 = vector.shape_cast %get3A_247 : vector<16xi32> to vector<16xi32>
      %get3A_249 = arith.index_cast %mul3A_240 : i32 to index
      %get3A_250 = tpu.vector_load %arg6[%get3A_249] {strides = array<i32>} : memref<10000xf32, #tpu.memory_space<vmem>>, vector<16xf32>,
      %get3A_251 = vector.shape_cast %get3A_250 : vector<16xf32> to vector<16xf32>
      %ne3A_252 = arith.cmpi ne, %get3A_243, %get3A_248 : vector<16xi32>
      %jit3A_253 = arith.constant 0xFF800000 : f32
      %broadcast_in_dim3A_254 = vector.broadcast %jit3A_253 : f32 to vector<16xf32>
      %select_n3A_255 = arith.select %ne3A_252, %get3A_251, %broadcast_in_dim3A_254 : vector<16xi1>, vector<16xf32>
      %max3A_256 = arith.maximumf %max3A_234, %select_n3A_255 : vector<16xf32>
      %mul3A_257 = arith.constant 25 : i32
      %mul3A_258 = arith.muli %scan3A_18, %mul3A_257 : i32
      %add3A_259 = arith.constant 11 : i32
      %add3A_260 = arith.addi %mul3A_258, %add3A_259 : i32
      %mul3A_261 = arith.constant 16 : i32
      %mul3A_262 = arith.muli %add3A_260, %mul3A_261 : i32
      %get3A_263 = arith.index_cast %mul3A_262 : i32 to index
      %get3A_264 = tpu.vector_load %arg5[%get3A_263] {strides = array<i32>} : memref<10016xi32, #tpu.memory_space<vmem>>, vector<16xi32>,
      %get3A_265 = vector.shape_cast %get3A_264 : vector<16xi32> to vector<16xi32>
      %add3A_266 = arith.constant 1 : i32
      %add3A_267 = arith.addi %mul3A_262, %add3A_266 : i32
      %get3A_268 = arith.index_cast %add3A_267 : i32 to index
      %get3A_269 = tpu.vector_load %arg5[%get3A_268] {strides = array<i32>} : memref<10016xi32, #tpu.memory_space<vmem>>, vector<16xi32>,
      %get3A_270 = vector.shape_cast %get3A_269 : vector<16xi32> to vector<16xi32>
      %get3A_271 = arith.index_cast %mul3A_262 : i32 to index
      %get3A_272 = tpu.vector_load %arg6[%get3A_271] {strides = array<i32>} : memref<10000xf32, #tpu.memory_space<vmem>>, vector<16xf32>,
      %get3A_273 = vector.shape_cast %get3A_272 : vector<16xf32> to vector<16xf32>
      %ne3A_274 = arith.cmpi ne, %get3A_265, %get3A_270 : vector<16xi32>
      %jit3A_275 = arith.constant 0xFF800000 : f32
      %broadcast_in_dim3A_276 = vector.broadcast %jit3A_275 : f32 to vector<16xf32>
      %select_n3A_277 = arith.select %ne3A_274, %get3A_273, %broadcast_in_dim3A_276 : vector<16xi1>, vector<16xf32>
      %max3A_278 = arith.maximumf %max3A_256, %select_n3A_277 : vector<16xf32>
      %mul3A_279 = arith.constant 25 : i32
      %mul3A_280 = arith.muli %scan3A_18, %mul3A_279 : i32
      %add3A_281 = arith.constant 12 : i32
      %add3A_282 = arith.addi %mul3A_280, %add3A_281 : i32
      %mul3A_283 = arith.constant 16 : i32
      %mul3A_284 = arith.muli %add3A_282, %mul3A_283 : i32
      %get3A_285 = arith.index_cast %mul3A_284 : i32 to index
      %get3A_286 = tpu.vector_load %arg5[%get3A_285] {strides = array<i32>} : memref<10016xi32, #tpu.memory_space<vmem>>, vector<16xi32>,
      %get3A_287 = vector.shape_cast %get3A_286 : vector<16xi32> to vector<16xi32>
      %add3A_288 = arith.constant 1 : i32
      %add3A_289 = arith.addi %mul3A_284, %add3A_288 : i32
      %get3A_290 = arith.index_cast %add3A_289 : i32 to index
      %get3A_291 = tpu.vector_load %arg5[%get3A_290] {strides = array<i32>} : memref<10016xi32, #tpu.memory_space<vmem>>, vector<16xi32>,
      %get3A_292 = vector.shape_cast %get3A_291 : vector<16xi32> to vector<16xi32>
      %get3A_293 = arith.index_cast %mul3A_284 : i32 to index
      %get3A_294 = tpu.vector_load %arg6[%get3A_293] {strides = array<i32>} : memref<10000xf32, #tpu.memory_space<vmem>>, vector<16xf32>,
      %get3A_295 = vector.shape_cast %get3A_294 : vector<16xf32> to vector<16xf32>
      %ne3A_296 = arith.cmpi ne, %get3A_287, %get3A_292 : vector<16xi32>
      %jit3A_297 = arith.constant 0xFF800000 : f32
      %broadcast_in_dim3A_298 = vector.broadcast %jit3A_297 : f32 to vector<16xf32>
      %select_n3A_299 = arith.select %ne3A_296, %get3A_295, %broadcast_in_dim3A_298 : vector<16xi1>, vector<16xf32>
      %max3A_300 = arith.maximumf %max3A_278, %select_n3A_299 : vector<16xf32>
      %mul3A_301 = arith.constant 25 : i32
      %mul3A_302 = arith.muli %scan3A_18, %mul3A_301 : i32
      %add3A_303 = arith.constant 13 : i32
      %add3A_304 = arith.addi %mul3A_302, %add3A_303 : i32
      %mul3A_305 = arith.constant 16 : i32
      %mul3A_306 = arith.muli %add3A_304, %mul3A_305 : i32
      %get3A_307 = arith.index_cast %mul3A_306 : i32 to index
      %get3A_308 = tpu.vector_load %arg5[%get3A_307] {strides = array<i32>} : memref<10016xi32, #tpu.memory_space<vmem>>, vector<16xi32>,
      %get3A_309 = vector.shape_cast %get3A_308 : vector<16xi32> to vector<16xi32>
      %add3A_310 = arith.constant 1 : i32
      %add3A_311 = arith.addi %mul3A_306, %add3A_310 : i32
      %get3A_312 = arith.index_cast %add3A_311 : i32 to index
      %get3A_313 = tpu.vector_load %arg5[%get3A_312] {strides = array<i32>} : memref<10016xi32, #tpu.memory_space<vmem>>, vector<16xi32>,
      %get3A_314 = vector.shape_cast %get3A_313 : vector<16xi32> to vector<16xi32>
      %get3A_315 = arith.index_cast %mul3A_306 : i32 to index
      %get3A_316 = tpu.vector_load %arg6[%get3A_315] {strides = array<i32>} : memref<10000xf32, #tpu.memory_space<vmem>>, vector<16xf32>,
      %get3A_317 = vector.shape_cast %get3A_316 : vector<16xf32> to vector<16xf32>
      %ne3A_318 = arith.cmpi ne, %get3A_309, %get3A_314 : vector<16xi32>
      %jit3A_319 = arith.constant 0xFF800000 : f32
      %broadcast_in_dim3A_320 = vector.broadcast %jit3A_319 : f32 to vector<16xf32>
      %select_n3A_321 = arith.select %ne3A_318, %get3A_317, %broadcast_in_dim3A_320 : vector<16xi1>, vector<16xf32>
      %max3A_322 = arith.maximumf %max3A_300, %select_n3A_321 : vector<16xf32>
      %mul3A_323 = arith.constant 25 : i32
      %mul3A_324 = arith.muli %scan3A_18, %mul3A_323 : i32
      %add3A_325 = arith.constant 14 : i32
      %add3A_326 = arith.addi %mul3A_324, %add3A_325 : i32
      %mul3A_327 = arith.constant 16 : i32
      %mul3A_328 = arith.muli %add3A_326, %mul3A_327 : i32
      %get3A_329 = arith.index_cast %mul3A_328 : i32 to index
      %get3A_330 = tpu.vector_load %arg5[%get3A_329] {strides = array<i32>} : memref<10016xi32, #tpu.memory_space<vmem>>, vector<16xi32>,
      %get3A_331 = vector.shape_cast %get3A_330 : vector<16xi32> to vector<16xi32>
      %add3A_332 = arith.constant 1 : i32
      %add3A_333 = arith.addi %mul3A_328, %add3A_332 : i32
      %get3A_334 = arith.index_cast %add3A_333 : i32 to index
      %get3A_335 = tpu.vector_load %arg5[%get3A_334] {strides = array<i32>} : memref<10016xi32, #tpu.memory_space<vmem>>, vector<16xi32>,
      %get3A_336 = vector.shape_cast %get3A_335 : vector<16xi32> to vector<16xi32>
      %get3A_337 = arith.index_cast %mul3A_328 : i32 to index
      %get3A_338 = tpu.vector_load %arg6[%get3A_337] {strides = array<i32>} : memref<10000xf32, #tpu.memory_space<vmem>>, vector<16xf32>,
      %get3A_339 = vector.shape_cast %get3A_338 : vector<16xf32> to vector<16xf32>
      %ne3A_340 = arith.cmpi ne, %get3A_331, %get3A_336 : vector<16xi32>
      %jit3A_341 = arith.constant 0xFF800000 : f32
      %broadcast_in_dim3A_342 = vector.broadcast %jit3A_341 : f32 to vector<16xf32>
      %select_n3A_343 = arith.select %ne3A_340, %get3A_339, %broadcast_in_dim3A_342 : vector<16xi1>, vector<16xf32>
      %max3A_344 = arith.maximumf %max3A_322, %select_n3A_343 : vector<16xf32>
      %mul3A_345 = arith.constant 25 : i32
      %mul3A_346 = arith.muli %scan3A_18, %mul3A_345 : i32
      %add3A_347 = arith.constant 15 : i32
      %add3A_348 = arith.addi %mul3A_346, %add3A_347 : i32
      %mul3A_349 = arith.constant 16 : i32
      %mul3A_350 = arith.muli %add3A_348, %mul3A_349 : i32
      %get3A_351 = arith.index_cast %mul3A_350 : i32 to index
      %get3A_352 = tpu.vector_load %arg5[%get3A_351] {strides = array<i32>} : memref<10016xi32, #tpu.memory_space<vmem>>, vector<16xi32>,
      %get3A_353 = vector.shape_cast %get3A_352 : vector<16xi32> to vector<16xi32>
      %add3A_354 = arith.constant 1 : i32
      %add3A_355 = arith.addi %mul3A_350, %add3A_354 : i32
      %get3A_356 = arith.index_cast %add3A_355 : i32 to index
      %get3A_357 = tpu.vector_load %arg5[%get3A_356] {strides = array<i32>} : memref<10016xi32, #tpu.memory_space<vmem>>, vector<16xi32>,
      %get3A_358 = vector.shape_cast %get3A_357 : vector<16xi32> to vector<16xi32>
      %get3A_359 = arith.index_cast %mul3A_350 : i32 to index
      %get3A_360 = tpu.vector_load %arg6[%get3A_359] {strides = array<i32>} : memref<10000xf32, #tpu.memory_space<vmem>>, vector<16xf32>,
      %get3A_361 = vector.shape_cast %get3A_360 : vector<16xf32> to vector<16xf32>
      %ne3A_362 = arith.cmpi ne, %get3A_353, %get3A_358 : vector<16xi32>
      %jit3A_363 = arith.constant 0xFF800000 : f32
      %broadcast_in_dim3A_364 = vector.broadcast %jit3A_363 : f32 to vector<16xf32>
      %select_n3A_365 = arith.select %ne3A_362, %get3A_361, %broadcast_in_dim3A_364 : vector<16xi1>, vector<16xf32>
      %max3A_366 = arith.maximumf %max3A_344, %select_n3A_365 : vector<16xf32>
      %mul3A_367 = arith.constant 25 : i32
      %mul3A_368 = arith.muli %scan3A_18, %mul3A_367 : i32
      %add3A_369 = arith.constant 16 : i32
      %add3A_370 = arith.addi %mul3A_368, %add3A_369 : i32
      %mul3A_371 = arith.constant 16 : i32
      %mul3A_372 = arith.muli %add3A_370, %mul3A_371 : i32
      %get3A_373 = arith.index_cast %mul3A_372 : i32 to index
      %get3A_374 = tpu.vector_load %arg5[%get3A_373] {strides = array<i32>} : memref<10016xi32, #tpu.memory_space<vmem>>, vector<16xi32>,
      %get3A_375 = vector.shape_cast %get3A_374 : vector<16xi32> to vector<16xi32>
      %add3A_376 = arith.constant 1 : i32
      %add3A_377 = arith.addi %mul3A_372, %add3A_376 : i32
      %get3A_378 = arith.index_cast %add3A_377 : i32 to index
      %get3A_379 = tpu.vector_load %arg5[%get3A_378] {strides = array<i32>} : memref<10016xi32, #tpu.memory_space<vmem>>, vector<16xi32>,
      %get3A_380 = vector.shape_cast %get3A_379 : vector<16xi32> to vector<16xi32>
      %get3A_381 = arith.index_cast %mul3A_372 : i32 to index
      %get3A_382 = tpu.vector_load %arg6[%get3A_381] {strides = array<i32>} : memref<10000xf32, #tpu.memory_space<vmem>>, vector<16xf32>,
      %get3A_383 = vector.shape_cast %get3A_382 : vector<16xf32> to vector<16xf32>
      %ne3A_384 = arith.cmpi ne, %get3A_375, %get3A_380 : vector<16xi32>
      %jit3A_385 = arith.constant 0xFF800000 : f32
      %broadcast_in_dim3A_386 = vector.broadcast %jit3A_385 : f32 to vector<16xf32>
      %select_n3A_387 = arith.select %ne3A_384, %get3A_383, %broadcast_in_dim3A_386 : vector<16xi1>, vector<16xf32>
      %max3A_388 = arith.maximumf %max3A_366, %select_n3A_387 : vector<16xf32>
      %mul3A_389 = arith.constant 25 : i32
      %mul3A_390 = arith.muli %scan3A_18, %mul3A_389 : i32
      %add3A_391 = arith.constant 17 : i32
      %add3A_392 = arith.addi %mul3A_390, %add3A_391 : i32
      %mul3A_393 = arith.constant 16 : i32
      %mul3A_394 = arith.muli %add3A_392, %mul3A_393 : i32
      %get3A_395 = arith.index_cast %mul3A_394 : i32 to index
      %get3A_396 = tpu.vector_load %arg5[%get3A_395] {strides = array<i32>} : memref<10016xi32, #tpu.memory_space<vmem>>, vector<16xi32>,
      %get3A_397 = vector.shape_cast %get3A_396 : vector<16xi32> to vector<16xi32>
      %add3A_398 = arith.constant 1 : i32
      %add3A_399 = arith.addi %mul3A_394, %add3A_398 : i32
      %get3A_400 = arith.index_cast %add3A_399 : i32 to index
      %get3A_401 = tpu.vector_load %arg5[%get3A_400] {strides = array<i32>} : memref<10016xi32, #tpu.memory_space<vmem>>, vector<16xi32>,
      %get3A_402 = vector.shape_cast %get3A_401 : vector<16xi32> to vector<16xi32>
      %get3A_403 = arith.index_cast %mul3A_394 : i32 to index
      %get3A_404 = tpu.vector_load %arg6[%get3A_403] {strides = array<i32>} : memref<10000xf32, #tpu.memory_space<vmem>>, vector<16xf32>,
      %get3A_405 = vector.shape_cast %get3A_404 : vector<16xf32> to vector<16xf32>
      %ne3A_406 = arith.cmpi ne, %get3A_397, %get3A_402 : vector<16xi32>
      %jit3A_407 = arith.constant 0xFF800000 : f32
      %broadcast_in_dim3A_408 = vector.broadcast %jit3A_407 : f32 to vector<16xf32>
      %select_n3A_409 = arith.select %ne3A_406, %get3A_405, %broadcast_in_dim3A_408 : vector<16xi1>, vector<16xf32>
      %max3A_410 = arith.maximumf %max3A_388, %select_n3A_409 : vector<16xf32>
      %mul3A_411 = arith.constant 25 : i32
      %mul3A_412 = arith.muli %scan3A_18, %mul3A_411 : i32
      %add3A_413 = arith.constant 18 : i32
      %add3A_414 = arith.addi %mul3A_412, %add3A_413 : i32
      %mul3A_415 = arith.constant 16 : i32
      %mul3A_416 = arith.muli %add3A_414, %mul3A_415 : i32
      %get3A_417 = arith.index_cast %mul3A_416 : i32 to index
      %get3A_418 = tpu.vector_load %arg5[%get3A_417] {strides = array<i32>} : memref<10016xi32, #tpu.memory_space<vmem>>, vector<16xi32>,
      %get3A_419 = vector.shape_cast %get3A_418 : vector<16xi32> to vector<16xi32>
      %add3A_420 = arith.constant 1 : i32
      %add3A_421 = arith.addi %mul3A_416, %add3A_420 : i32
      %get3A_422 = arith.index_cast %add3A_421 : i32 to index
      %get3A_423 = tpu.vector_load %arg5[%get3A_422] {strides = array<i32>} : memref<10016xi32, #tpu.memory_space<vmem>>, vector<16xi32>,
      %get3A_424 = vector.shape_cast %get3A_423 : vector<16xi32> to vector<16xi32>
      %get3A_425 = arith.index_cast %mul3A_416 : i32 to index
      %get3A_426 = tpu.vector_load %arg6[%get3A_425] {strides = array<i32>} : memref<10000xf32, #tpu.memory_space<vmem>>, vector<16xf32>,
      %get3A_427 = vector.shape_cast %get3A_426 : vector<16xf32> to vector<16xf32>
      %ne3A_428 = arith.cmpi ne, %get3A_419, %get3A_424 : vector<16xi32>
      %jit3A_429 = arith.constant 0xFF800000 : f32
      %broadcast_in_dim3A_430 = vector.broadcast %jit3A_429 : f32 to vector<16xf32>
      %select_n3A_431 = arith.select %ne3A_428, %get3A_427, %broadcast_in_dim3A_430 : vector<16xi1>, vector<16xf32>
      %max3A_432 = arith.maximumf %max3A_410, %select_n3A_431 : vector<16xf32>
      %mul3A_433 = arith.constant 25 : i32
      %mul3A_434 = arith.muli %scan3A_18, %mul3A_433 : i32
      %add3A_435 = arith.constant 19 : i32
      %add3A_436 = arith.addi %mul3A_434, %add3A_435 : i32
      %mul3A_437 = arith.constant 16 : i32
      %mul3A_438 = arith.muli %add3A_436, %mul3A_437 : i32
      %get3A_439 = arith.index_cast %mul3A_438 : i32 to index
      %get3A_440 = tpu.vector_load %arg5[%get3A_439] {strides = array<i32>} : memref<10016xi32, #tpu.memory_space<vmem>>, vector<16xi32>,
      %get3A_441 = vector.shape_cast %get3A_440 : vector<16xi32> to vector<16xi32>
      %add3A_442 = arith.constant 1 : i32
      %add3A_443 = arith.addi %mul3A_438, %add3A_442 : i32
      %get3A_444 = arith.index_cast %add3A_443 : i32 to index
      %get3A_445 = tpu.vector_load %arg5[%get3A_444] {strides = array<i32>} : memref<10016xi32, #tpu.memory_space<vmem>>, vector<16xi32>,
      %get3A_446 = vector.shape_cast %get3A_445 : vector<16xi32> to vector<16xi32>
      %get3A_447 = arith.index_cast %mul3A_438 : i32 to index
      %get3A_448 = tpu.vector_load %arg6[%get3A_447] {strides = array<i32>} : memref<10000xf32, #tpu.memory_space<vmem>>, vector<16xf32>,
      %get3A_449 = vector.shape_cast %get3A_448 : vector<16xf32> to vector<16xf32>
      %ne3A_450 = arith.cmpi ne, %get3A_441, %get3A_446 : vector<16xi32>
      %jit3A_451 = arith.constant 0xFF800000 : f32
      %broadcast_in_dim3A_452 = vector.broadcast %jit3A_451 : f32 to vector<16xf32>
      %select_n3A_453 = arith.select %ne3A_450, %get3A_449, %broadcast_in_dim3A_452 : vector<16xi1>, vector<16xf32>
      %max3A_454 = arith.maximumf %max3A_432, %select_n3A_453 : vector<16xf32>
      %mul3A_455 = arith.constant 25 : i32
      %mul3A_456 = arith.muli %scan3A_18, %mul3A_455 : i32
      %add3A_457 = arith.constant 20 : i32
      %add3A_458 = arith.addi %mul3A_456, %add3A_457 : i32
      %mul3A_459 = arith.constant 16 : i32
      %mul3A_460 = arith.muli %add3A_458, %mul3A_459 : i32
      %get3A_461 = arith.index_cast %mul3A_460 : i32 to index
      %get3A_462 = tpu.vector_load %arg5[%get3A_461] {strides = array<i32>} : memref<10016xi32, #tpu.memory_space<vmem>>, vector<16xi32>,
      %get3A_463 = vector.shape_cast %get3A_462 : vector<16xi32> to vector<16xi32>
      %add3A_464 = arith.constant 1 : i32
      %add3A_465 = arith.addi %mul3A_460, %add3A_464 : i32
      %get3A_466 = arith.index_cast %add3A_465 : i32 to index
      %get3A_467 = tpu.vector_load %arg5[%get3A_466] {strides = array<i32>} : memref<10016xi32, #tpu.memory_space<vmem>>, vector<16xi32>,
      %get3A_468 = vector.shape_cast %get3A_467 : vector<16xi32> to vector<16xi32>
      %get3A_469 = arith.index_cast %mul3A_460 : i32 to index
      %get3A_470 = tpu.vector_load %arg6[%get3A_469] {strides = array<i32>} : memref<10000xf32, #tpu.memory_space<vmem>>, vector<16xf32>,
      %get3A_471 = vector.shape_cast %get3A_470 : vector<16xf32> to vector<16xf32>
      %ne3A_472 = arith.cmpi ne, %get3A_463, %get3A_468 : vector<16xi32>
      %jit3A_473 = arith.constant 0xFF800000 : f32
      %broadcast_in_dim3A_474 = vector.broadcast %jit3A_473 : f32 to vector<16xf32>
      %select_n3A_475 = arith.select %ne3A_472, %get3A_471, %broadcast_in_dim3A_474 : vector<16xi1>, vector<16xf32>
      %max3A_476 = arith.maximumf %max3A_454, %select_n3A_475 : vector<16xf32>
      %mul3A_477 = arith.constant 25 : i32
      %mul3A_478 = arith.muli %scan3A_18, %mul3A_477 : i32
      %add3A_479 = arith.constant 21 : i32
      %add3A_480 = arith.addi %mul3A_478, %add3A_479 : i32
      %mul3A_481 = arith.constant 16 : i32
      %mul3A_482 = arith.muli %add3A_480, %mul3A_481 : i32
      %get3A_483 = arith.index_cast %mul3A_482 : i32 to index
      %get3A_484 = tpu.vector_load %arg5[%get3A_483] {strides = array<i32>} : memref<10016xi32, #tpu.memory_space<vmem>>, vector<16xi32>,
      %get3A_485 = vector.shape_cast %get3A_484 : vector<16xi32> to vector<16xi32>
      %add3A_486 = arith.constant 1 : i32
      %add3A_487 = arith.addi %mul3A_482, %add3A_486 : i32
      %get3A_488 = arith.index_cast %add3A_487 : i32 to index
      %get3A_489 = tpu.vector_load %arg5[%get3A_488] {strides = array<i32>} : memref<10016xi32, #tpu.memory_space<vmem>>, vector<16xi32>,
      %get3A_490 = vector.shape_cast %get3A_489 : vector<16xi32> to vector<16xi32>
      %get3A_491 = arith.index_cast %mul3A_482 : i32 to index
      %get3A_492 = tpu.vector_load %arg6[%get3A_491] {strides = array<i32>} : memref<10000xf32, #tpu.memory_space<vmem>>, vector<16xf32>,
      %get3A_493 = vector.shape_cast %get3A_492 : vector<16xf32> to vector<16xf32>
      %ne3A_494 = arith.cmpi ne, %get3A_485, %get3A_490 : vector<16xi32>
      %jit3A_495 = arith.constant 0xFF800000 : f32
      %broadcast_in_dim3A_496 = vector.broadcast %jit3A_495 : f32 to vector<16xf32>
      %select_n3A_497 = arith.select %ne3A_494, %get3A_493, %broadcast_in_dim3A_496 : vector<16xi1>, vector<16xf32>
      %max3A_498 = arith.maximumf %max3A_476, %select_n3A_497 : vector<16xf32>
      %mul3A_499 = arith.constant 25 : i32
      %mul3A_500 = arith.muli %scan3A_18, %mul3A_499 : i32
      %add3A_501 = arith.constant 22 : i32
      %add3A_502 = arith.addi %mul3A_500, %add3A_501 : i32
      %mul3A_503 = arith.constant 16 : i32
      %mul3A_504 = arith.muli %add3A_502, %mul3A_503 : i32
      %get3A_505 = arith.index_cast %mul3A_504 : i32 to index
      %get3A_506 = tpu.vector_load %arg5[%get3A_505] {strides = array<i32>} : memref<10016xi32, #tpu.memory_space<vmem>>, vector<16xi32>,
      %get3A_507 = vector.shape_cast %get3A_506 : vector<16xi32> to vector<16xi32>
      %add3A_508 = arith.constant 1 : i32
      %add3A_509 = arith.addi %mul3A_504, %add3A_508 : i32
      %get3A_510 = arith.index_cast %add3A_509 : i32 to index
      %get3A_511 = tpu.vector_load %arg5[%get3A_510] {strides = array<i32>} : memref<10016xi32, #tpu.memory_space<vmem>>, vector<16xi32>,
      %get3A_512 = vector.shape_cast %get3A_511 : vector<16xi32> to vector<16xi32>
      %get3A_513 = arith.index_cast %mul3A_504 : i32 to index
      %get3A_514 = tpu.vector_load %arg6[%get3A_513] {strides = array<i32>} : memref<10000xf32, #tpu.memory_space<vmem>>, vector<16xf32>,
      %get3A_515 = vector.shape_cast %get3A_514 : vector<16xf32> to vector<16xf32>
      %ne3A_516 = arith.cmpi ne, %get3A_507, %get3A_512 : vector<16xi32>
      %jit3A_517 = arith.constant 0xFF800000 : f32
      %broadcast_in_dim3A_518 = vector.broadcast %jit3A_517 : f32 to vector<16xf32>
      %select_n3A_519 = arith.select %ne3A_516, %get3A_515, %broadcast_in_dim3A_518 : vector<16xi1>, vector<16xf32>
      %max3A_520 = arith.maximumf %max3A_498, %select_n3A_519 : vector<16xf32>
      %mul3A_521 = arith.constant 25 : i32
      %mul3A_522 = arith.muli %scan3A_18, %mul3A_521 : i32
      %add3A_523 = arith.constant 23 : i32
      %add3A_524 = arith.addi %mul3A_522, %add3A_523 : i32
      %mul3A_525 = arith.constant 16 : i32
      %mul3A_526 = arith.muli %add3A_524, %mul3A_525 : i32
      %get3A_527 = arith.index_cast %mul3A_526 : i32 to index
      %get3A_528 = tpu.vector_load %arg5[%get3A_527] {strides = array<i32>} : memref<10016xi32, #tpu.memory_space<vmem>>, vector<16xi32>,
      %get3A_529 = vector.shape_cast %get3A_528 : vector<16xi32> to vector<16xi32>
      %add3A_530 = arith.constant 1 : i32
      %add3A_531 = arith.addi %mul3A_526, %add3A_530 : i32
      %get3A_532 = arith.index_cast %add3A_531 : i32 to index
      %get3A_533 = tpu.vector_load %arg5[%get3A_532] {strides = array<i32>} : memref<10016xi32, #tpu.memory_space<vmem>>, vector<16xi32>,
      %get3A_534 = vector.shape_cast %get3A_533 : vector<16xi32> to vector<16xi32>
      %get3A_535 = arith.index_cast %mul3A_526 : i32 to index
      %get3A_536 = tpu.vector_load %arg6[%get3A_535] {strides = array<i32>} : memref<10000xf32, #tpu.memory_space<vmem>>, vector<16xf32>,
      %get3A_537 = vector.shape_cast %get3A_536 : vector<16xf32> to vector<16xf32>
      %ne3A_538 = arith.cmpi ne, %get3A_529, %get3A_534 : vector<16xi32>
      %jit3A_539 = arith.constant 0xFF800000 : f32
      %broadcast_in_dim3A_540 = vector.broadcast %jit3A_539 : f32 to vector<16xf32>
      %select_n3A_541 = arith.select %ne3A_538, %get3A_537, %broadcast_in_dim3A_540 : vector<16xi1>, vector<16xf32>
      %max3A_542 = arith.maximumf %max3A_520, %select_n3A_541 : vector<16xf32>
      %mul3A_543 = arith.constant 25 : i32
      %mul3A_544 = arith.muli %scan3A_18, %mul3A_543 : i32
      %add3A_545 = arith.constant 24 : i32
      %add3A_546 = arith.addi %mul3A_544, %add3A_545 : i32
      %mul3A_547 = arith.constant 16 : i32
      %mul3A_548 = arith.muli %add3A_546, %mul3A_547 : i32
      %get3A_549 = arith.index_cast %mul3A_548 : i32 to index
      %get3A_550 = tpu.vector_load %arg5[%get3A_549] {strides = array<i32>} : memref<10016xi32, #tpu.memory_space<vmem>>, vector<16xi32>,
      %get3A_551 = vector.shape_cast %get3A_550 : vector<16xi32> to vector<16xi32>
      %add3A_552 = arith.constant 1 : i32
      %add3A_553 = arith.addi %mul3A_548, %add3A_552 : i32
      %get3A_554 = arith.index_cast %add3A_553 : i32 to index
      %get3A_555 = tpu.vector_load %arg5[%get3A_554] {strides = array<i32>} : memref<10016xi32, #tpu.memory_space<vmem>>, vector<16xi32>,
      %get3A_556 = vector.shape_cast %get3A_555 : vector<16xi32> to vector<16xi32>
      %get3A_557 = arith.index_cast %mul3A_548 : i32 to index
      %get3A_558 = tpu.vector_load %arg6[%get3A_557] {strides = array<i32>} : memref<10000xf32, #tpu.memory_space<vmem>>, vector<16xf32>,
      %get3A_559 = vector.shape_cast %get3A_558 : vector<16xf32> to vector<16xf32>
      %ne3A_560 = arith.cmpi ne, %get3A_551, %get3A_556 : vector<16xi32>
      %jit3A_561 = arith.constant 0xFF800000 : f32
      %broadcast_in_dim3A_562 = vector.broadcast %jit3A_561 : f32 to vector<16xf32>
      %select_n3A_563 = arith.select %ne3A_560, %get3A_559, %broadcast_in_dim3A_562 : vector<16xi1>, vector<16xf32>
      %max3A_564 = arith.maximumf %max3A_542, %select_n3A_563 : vector<16xf32>
      scf.yield %max3A_564 : vector<16xf32>
    }
    %scan3A_14 = arith.constant 25 : i32
    %swap3A = arith.constant 0 : index
    %swap3A_15 = tpu.vector_load %arg7[%swap3A] {strides = array<i32>} : memref<16xf32, #tpu.memory_space<vmem>>, vector<16xf32>,
    %swap3A_16 = vector.shape_cast %swap3A_15 : vector<16xf32> to vector<16xf32>
    %swap3A_17 = vector.shape_cast %scan3A_13 : vector<16xf32> to vector<16xf32>
    tpu.vector_store %arg7[%swap3A], %swap3A_17 {strides = array<i32>} : memref<16xf32, #tpu.memory_space<vmem>>, vector<16xf32>,
    "tpu.region"() ({
      %run_scoped3A = tpu.sem_alloc : memref<!tpu.dma_semaphore, #tpu.memory_space<semaphore_mem>>
      %dma_start3A_18 = arith.constant 0 : i32
      %dma_start3A_19 = tpu.memref_slice %arg4[%add3A, %dma_start3A_18] : memref<32x16xf32, #tpu.memory_space<hbm>> -> memref<1x16xf32, #tpu.memory_space<hbm>>
      %dma_start3A_20 = tpu.memref_squeeze %dma_start3A_19 : memref<1x16xf32, #tpu.memory_space<hbm>> -> memref<16xf32, #tpu.memory_space<hbm>>
      %dma_start3A_21 = arith.constant 0 : i32
      %dma_start3A_22 = tpu.memref_slice %arg4[%add3A, %dma_start3A_21] : memref<32x16xf32, #tpu.memory_space<hbm>> -> memref<1x16xf32, #tpu.memory_space<hbm>>
      %dma_start3A_23 = tpu.memref_squeeze %dma_start3A_22 : memref<1x16xf32, #tpu.memory_space<hbm>> -> memref<16xf32, #tpu.memory_space<hbm>>
      tpu.enqueue_dma source(%arg7 : memref<16xf32, #tpu.memory_space<vmem>>) target(%dma_start3A_23 : memref<16xf32, #tpu.memory_space<hbm>>) target_semaphore(%run_scoped3A : memref<!tpu.dma_semaphore, #tpu.memory_space<semaphore_mem>>)
      %dma_wait3A_24 = arith.constant 0 : i32
      %dma_wait3A_25 = tpu.memref_slice %arg4[%add3A, %dma_wait3A_24] : memref<32x16xf32, #tpu.memory_space<hbm>> -> memref<1x16xf32, #tpu.memory_space<hbm>>
      %dma_wait3A_26 = tpu.memref_squeeze %dma_wait3A_25 : memref<1x16xf32, #tpu.memory_space<hbm>> -> memref<16xf32, #tpu.memory_space<hbm>>
      %dma_wait3A_27 = arith.constant 0 : i32
      %dma_wait3A_28 = tpu.memref_slice %arg4[%add3A, %dma_wait3A_27] : memref<32x16xf32, #tpu.memory_space<hbm>> -> memref<1x16xf32, #tpu.memory_space<hbm>>
      %dma_wait3A_29 = tpu.memref_squeeze %dma_wait3A_28 : memref<1x16xf32, #tpu.memory_space<hbm>> -> memref<16xf32, #tpu.memory_space<hbm>>
      tpu.wait_dma2 semaphore(%run_scoped3A : memref<!tpu.dma_semaphore, #tpu.memory_space<semaphore_mem>>) src(%arg7 : memref<16xf32, #tpu.memory_space<vmem>>) dst(%dma_wait3A_29 : memref<16xf32, #tpu.memory_space<hbm>>)
      tpu.yield
    }) : () -> ()
    return
  }
}

module attributes {stable_mosaic.version = 14 : i64} {
  func.func @_stats1_kernel(%arg0: i32, %arg1: memref<16000x128xf32, #tpu.memory_space<vmem>>, %arg2: memref<128x128xf32, #tpu.memory_space<vmem>>, %arg3: memref<8x128xf32, #tpu.memory_space<vmem>>, %arg4: memref<8x128xf32, #tpu.memory_space<vmem>>, %arg5: memref<1x128x16000xbf16, #tpu.memory_space<vmem>>) attributes {dimension_semantics = [#tpu.dimension_semantics<arbitrary>], iteration_bounds = array<i64: 20>, scalar_prefetch = 0 : i64, scratch_operands = 0 : i64, tpu.core_type = #tpu.core_type<tc>, window_params = [{transform_indices = @transform_0, window_bounds = array<i64: 16000, 128>}, {pipeline_mode = #tpu.pipeline_mode<synchronous>, transform_indices = @transform_1, window_bounds = array<i64: 128, 128>}, {pipeline_mode = #tpu.pipeline_mode<synchronous>, transform_indices = @transform_2, window_bounds = array<i64: 8, 128>}, {pipeline_mode = #tpu.pipeline_mode<synchronous>, transform_indices = @transform_3, window_bounds = array<i64: 8, 128>}, {transform_indices = @transform_4, window_bounds = array<i64: 1, 128, 16000>}]} {
    %get3A = arith.constant 0 : index
    %get3A_0 = arith.constant 0 : index
    %get3A_1 = vector.load %arg1[%get3A, %get3A_0] : memref<16000x128xf32, #tpu.memory_space<vmem>>, vector<16000x128xf32>
    %get3A_2 = arith.constant 0 : index
    %get3A_3 = arith.constant 0 : index
    %get3A_4 = vector.load %arg2[%get3A_2, %get3A_3] : memref<128x128xf32, #tpu.memory_space<vmem>>, vector<128x128xf32>
    %dot_general3A = arith.constant dense<0.000000e+00> : vector<16000x128xf32>
    %dot_general3A_5 = tpu.matmul %get3A_1, %get3A_4, %dot_general3A {dimension_numbers = #tpu.dot_dimension_numbers<[1], [0], [0], [1], [0, 0, 1, 1], [], []>, transpose_lhs_hint = false} : vector<16000x128xf32>, vector<128x128xf32>, vector<16000x128xf32> -> vector<16000x128xf32>
    %convert_element_type3A = arith.truncf %dot_general3A_5 : vector<16000x128xf32> to vector<16000x128xbf16>
    %transpose3A = tpu.transpose %convert_element_type3A, [1, 0] : vector<16000x128xbf16> -> vector<128x16000xbf16>
    %swap3A = arith.constant 0 : index
    %swap3A_6 = arith.constant 0 : index
    %swap3A_7 = arith.constant 0 : index
    %swap3A_8 = vector.load %arg5[%swap3A, %swap3A_6, %swap3A_7] : memref<1x128x16000xbf16, #tpu.memory_space<vmem>>, vector<1x128x16000xbf16>
    %swap3A_9 = vector.shape_cast %swap3A_8 : vector<1x128x16000xbf16> to vector<128x16000xbf16>
    %swap3A_10 = vector.shape_cast %transpose3A : vector<128x16000xbf16> to vector<1x128x16000xbf16>
    tpu.vector_store %arg5[%swap3A, %swap3A_6, %swap3A_7], %swap3A_10 {strides = array<i32>} : memref<1x128x16000xbf16, #tpu.memory_space<vmem>>, vector<1x128x16000xbf16>,
    %reduce_sum3A = arith.constant dense<0.000000e+00> : vector<128xf32>
    %reduce_sum3A_11 = vector.multi_reduction <add>, %dot_general3A_5, %reduce_sum3A [0] : vector<16000x128xf32> to vector<128xf32>
    %broadcast_in_dim3A = vector.shape_cast %reduce_sum3A_11 : vector<128xf32> to vector<1x128xf32>
    %mul3A = arith.mulf %dot_general3A_5, %dot_general3A_5 : vector<16000x128xf32>
    %reduce_sum3A_12 = arith.constant dense<0.000000e+00> : vector<128xf32>
    %reduce_sum3A_13 = vector.multi_reduction <add>, %mul3A, %reduce_sum3A_12 [0] : vector<16000x128xf32> to vector<128xf32>
    %broadcast_in_dim3A_14 = vector.shape_cast %reduce_sum3A_13 : vector<128xf32> to vector<1x128xf32>
    %eq3A = arith.constant 0 : i32
    %eq3A_15 = arith.cmpi eq, %arg0, %eq3A : i32
    %convert_element_type3A_16 = arith.extui %eq3A_15 : i1 to i32
    %cond3A = arith.constant 0 : i32
    %cond3A_17 = arith.cmpi ne, %convert_element_type3A_16, %cond3A : i32
    scf.if %cond3A_17 {
      %broadcast_in_dim3A_22 = vector.shape_cast %broadcast_in_dim3A : vector<1x128xf32> to vector<1x128xf32>
      %broadcast_in_dim3A_23 = vector.broadcast %broadcast_in_dim3A_22 : vector<1x128xf32> to vector<8x128xf32>
      %swap3A_24 = arith.constant 0 : index
      %swap3A_25 = arith.constant 0 : index
      %swap3A_26 = vector.load %arg3[%swap3A_24, %swap3A_25] : memref<8x128xf32, #tpu.memory_space<vmem>>, vector<8x128xf32>
      tpu.vector_store %arg3[%swap3A_24, %swap3A_25], %broadcast_in_dim3A_23 {strides = array<i32>} : memref<8x128xf32, #tpu.memory_space<vmem>>, vector<8x128xf32>,
      %broadcast_in_dim3A_27 = vector.shape_cast %broadcast_in_dim3A_14 : vector<1x128xf32> to vector<1x128xf32>
      %broadcast_in_dim3A_28 = vector.broadcast %broadcast_in_dim3A_27 : vector<1x128xf32> to vector<8x128xf32>
      %swap3A_29 = arith.constant 0 : index
      %swap3A_30 = arith.constant 0 : index
      %swap3A_31 = vector.load %arg4[%swap3A_29, %swap3A_30] : memref<8x128xf32, #tpu.memory_space<vmem>>, vector<8x128xf32>
      tpu.vector_store %arg4[%swap3A_29, %swap3A_30], %broadcast_in_dim3A_28 {strides = array<i32>} : memref<8x128xf32, #tpu.memory_space<vmem>>, vector<8x128xf32>,
    } else {
    }
    %ne3A = arith.constant 0 : i32
    %ne3A_18 = arith.cmpi ne, %arg0, %ne3A : i32
    %convert_element_type3A_19 = arith.extui %ne3A_18 : i1 to i32
    %cond3A_20 = arith.constant 0 : i32
    %cond3A_21 = arith.cmpi ne, %convert_element_type3A_19, %cond3A_20 : i32
    scf.if %cond3A_21 {
      %get3A_22 = arith.constant 0 : index
      %get3A_23 = arith.constant 0 : index
      %get3A_24 = vector.load %arg3[%get3A_22, %get3A_23] : memref<8x128xf32, #tpu.memory_space<vmem>>, vector<8x128xf32>
      %broadcast_in_dim3A_25 = vector.shape_cast %broadcast_in_dim3A : vector<1x128xf32> to vector<1x128xf32>
      %broadcast_in_dim3A_26 = vector.broadcast %broadcast_in_dim3A_25 : vector<1x128xf32> to vector<8x128xf32>
      %add3A = arith.addf %get3A_24, %broadcast_in_dim3A_26 : vector<8x128xf32>
      %swap3A_27 = arith.constant 0 : index
      %swap3A_28 = arith.constant 0 : index
      %swap3A_29 = vector.load %arg3[%swap3A_27, %swap3A_28] : memref<8x128xf32, #tpu.memory_space<vmem>>, vector<8x128xf32>
      tpu.vector_store %arg3[%swap3A_27, %swap3A_28], %add3A {strides = array<i32>} : memref<8x128xf32, #tpu.memory_space<vmem>>, vector<8x128xf32>,
      %get3A_30 = arith.constant 0 : index
      %get3A_31 = arith.constant 0 : index
      %get3A_32 = vector.load %arg4[%get3A_30, %get3A_31] : memref<8x128xf32, #tpu.memory_space<vmem>>, vector<8x128xf32>
      %broadcast_in_dim3A_33 = vector.shape_cast %broadcast_in_dim3A_14 : vector<1x128xf32> to vector<1x128xf32>
      %broadcast_in_dim3A_34 = vector.broadcast %broadcast_in_dim3A_33 : vector<1x128xf32> to vector<8x128xf32>
      %add3A_35 = arith.addf %get3A_32, %broadcast_in_dim3A_34 : vector<8x128xf32>
      %swap3A_36 = arith.constant 0 : index
      %swap3A_37 = arith.constant 0 : index
      %swap3A_38 = vector.load %arg4[%swap3A_36, %swap3A_37] : memref<8x128xf32, #tpu.memory_space<vmem>>, vector<8x128xf32>
      tpu.vector_store %arg4[%swap3A_36, %swap3A_37], %add3A_35 {strides = array<i32>} : memref<8x128xf32, #tpu.memory_space<vmem>>, vector<8x128xf32>,
    } else {
    }
    return
  }
  func.func @transform_0(%arg0: i32) -> (i32, i32) {
    %c0_i32 = arith.constant 0 : i32
    %c0_i32_0 = arith.constant 0 : i32
    return %arg0, %c0_i32 : i32, i32
  }
  func.func @transform_1(%arg0: i32) -> (i32, i32) {
    %c0_i32 = arith.constant 0 : i32
    %c0_i32_0 = arith.constant 0 : i32
    %c0_i32_1 = arith.constant 0 : i32
    return %c0_i32, %c0_i32_0 : i32, i32
  }
  func.func @transform_2(%arg0: i32) -> (i32, i32) {
    %c0_i32 = arith.constant 0 : i32
    %c0_i32_0 = arith.constant 0 : i32
    %c0_i32_1 = arith.constant 0 : i32
    return %c0_i32, %c0_i32_0 : i32, i32
  }
  func.func @transform_3(%arg0: i32) -> (i32, i32) {
    %c0_i32 = arith.constant 0 : i32
    %c0_i32_0 = arith.constant 0 : i32
    %c0_i32_1 = arith.constant 0 : i32
    return %c0_i32, %c0_i32_0 : i32, i32
  }
  func.func @transform_4(%arg0: i32) -> (i32, i32, i32) {
    %c0_i32 = arith.constant 0 : i32
    %c0_i32_0 = arith.constant 0 : i32
    %c0_i32_1 = arith.constant 0 : i32
    return %arg0, %c0_i32, %c0_i32_0 : i32, i32, i32
  }
}

module attributes {stable_mosaic.version = 14 : i64} {
  func.func @_pass2_kernel(%arg0: i32, %arg1: memref<1x128x16000xbf16, #tpu.memory_space<vmem>>, %arg2: memref<1x128xf32, #tpu.memory_space<vmem>>, %arg3: memref<8x128xf32, #tpu.memory_space<vmem>>, %arg4: memref<8x128xf32, #tpu.memory_space<vmem>>, %arg5: memref<1x128xf32, #tpu.memory_space<vmem>>, %arg6: memref<1x128xf32, #tpu.memory_space<vmem>>, %arg7: memref<8x128xf32, #tpu.memory_space<vmem>>, %arg8: memref<8x128xf32, #tpu.memory_space<vmem>>, %arg9: memref<320000xf32, #tpu.memory_space<vmem>>, %arg10: memref<128x1xf32, #tpu.memory_space<vmem>>, %arg11: memref<128x1xf32, #tpu.memory_space<vmem>>) attributes {dimension_semantics = [#tpu.dimension_semantics<arbitrary>], iteration_bounds = array<i64: 20>, scalar_prefetch = 0 : i64, scratch_operands = 2 : i64, tpu.core_type = #tpu.core_type<tc>, window_params = [{transform_indices = @transform_0, window_bounds = array<i64: 1, 128, 16000>}, {pipeline_mode = #tpu.pipeline_mode<synchronous>, transform_indices = @transform_1, window_bounds = array<i64: 1, 128>}, {pipeline_mode = #tpu.pipeline_mode<synchronous>, transform_indices = @transform_2, window_bounds = array<i64: 8, 128>}, {pipeline_mode = #tpu.pipeline_mode<synchronous>, transform_indices = @transform_3, window_bounds = array<i64: 8, 128>}, {pipeline_mode = #tpu.pipeline_mode<synchronous>, transform_indices = @transform_4, window_bounds = array<i64: 1, 128>}, {pipeline_mode = #tpu.pipeline_mode<synchronous>, transform_indices = @transform_5, window_bounds = array<i64: 1, 128>}, {pipeline_mode = #tpu.pipeline_mode<synchronous>, transform_indices = @transform_6, window_bounds = array<i64: 8, 128>}, {pipeline_mode = #tpu.pipeline_mode<synchronous>, transform_indices = @transform_7, window_bounds = array<i64: 8, 128>}, {pipeline_mode = #tpu.pipeline_mode<synchronous>, transform_indices = @transform_8, window_bounds = array<i64: 320000>}]} {
    %eq3A = arith.constant 0 : i32
    %eq3A_0 = arith.cmpi eq, %arg0, %eq3A : i32
    %convert_element_type3A = arith.extui %eq3A_0 : i1 to i32
    %cond3A = arith.constant 0 : i32
    %cond3A_1 = arith.cmpi ne, %convert_element_type3A, %cond3A : i32
    scf.if %cond3A_1 {
      %div3A = arith.constant 1.000000e+00 : f32
      %div3A_43 = arith.constant 3.200000e+05 : f32
      %div3A_44 = arith.divf %div3A, %div3A_43 : f32
      %get3A_45 = arith.constant 0 : index
      %get3A_46 = arith.constant 0 : index
      %get3A_47 = vector.load %arg3[%get3A_45, %get3A_46] : memref<8x128xf32, #tpu.memory_space<vmem>>, vector<1x128xf32>
      %mul3A_48 = vector.broadcast %div3A_44 : f32 to vector<1x128xf32>
      %mul3A_49 = arith.mulf %get3A_47, %mul3A_48 : vector<1x128xf32>
      %get3A_50 = arith.constant 0 : index
      %get3A_51 = arith.constant 0 : index
      %get3A_52 = vector.load %arg4[%get3A_50, %get3A_51] : memref<8x128xf32, #tpu.memory_space<vmem>>, vector<1x128xf32>
      %mul3A_53 = vector.broadcast %div3A_44 : f32 to vector<1x128xf32>
      %mul3A_54 = arith.mulf %get3A_52, %mul3A_53 : vector<1x128xf32>
      %mul3A_55 = arith.mulf %mul3A_49, %mul3A_49 : vector<1x128xf32>
      %sub3A = arith.subf %mul3A_54, %mul3A_55 : vector<1x128xf32>
      %get3A_56 = arith.constant 0 : index
      %get3A_57 = arith.constant 0 : index
      %get3A_58 = vector.load %arg5[%get3A_56, %get3A_57] : memref<1x128xf32, #tpu.memory_space<vmem>>, vector<1x128xf32>
      %add3A_59 = arith.constant 9.99999974E-6 : f32
      %add3A_60 = vector.broadcast %add3A_59 : f32 to vector<1x128xf32>
      %add3A_61 = arith.addf %sub3A, %add3A_60 : vector<1x128xf32>
      %rsqrt3A = math.rsqrt %add3A_61 : vector<1x128xf32>
      %mul3A_62 = arith.mulf %get3A_58, %rsqrt3A : vector<1x128xf32>
      %transpose3A = tpu.transpose %mul3A_62, [1, 0] : vector<1x128xf32> -> vector<128x1xf32>
      %swap3A_63 = arith.constant 0 : index
      %swap3A_64 = arith.constant 0 : index
      %swap3A_65 = vector.load %arg10[%swap3A_63, %swap3A_64] : memref<128x1xf32, #tpu.memory_space<vmem>>, vector<128x1xf32>
      tpu.vector_store %arg10[%swap3A_63, %swap3A_64], %transpose3A {strides = array<i32>} : memref<128x1xf32, #tpu.memory_space<vmem>>, vector<128x1xf32>,
      %get3A_66 = arith.constant 0 : index
      %get3A_67 = arith.constant 0 : index
      %get3A_68 = vector.load %arg6[%get3A_66, %get3A_67] : memref<1x128xf32, #tpu.memory_space<vmem>>, vector<1x128xf32>
      %mul3A_69 = arith.mulf %mul3A_49, %mul3A_62 : vector<1x128xf32>
      %sub3A_70 = arith.subf %get3A_68, %mul3A_69 : vector<1x128xf32>
      %transpose3A_71 = tpu.transpose %sub3A_70, [1, 0] : vector<1x128xf32> -> vector<128x1xf32>
      %swap3A_72 = arith.constant 0 : index
      %swap3A_73 = arith.constant 0 : index
      %swap3A_74 = vector.load %arg11[%swap3A_72, %swap3A_73] : memref<128x1xf32, #tpu.memory_space<vmem>>, vector<128x1xf32>
      tpu.vector_store %arg11[%swap3A_72, %swap3A_73], %transpose3A_71 {strides = array<i32>} : memref<128x1xf32, #tpu.memory_space<vmem>>, vector<128x1xf32>,
    } else {
    }
    %get3A = arith.constant 0 : index
    %get3A_2 = arith.constant 0 : index
    %get3A_3 = arith.constant 0 : index
    %get3A_4 = vector.load %arg1[%get3A, %get3A_2, %get3A_3] : memref<1x128x16000xbf16, #tpu.memory_space<vmem>>, vector<1x128x16000xbf16>
    %get3A_5 = vector.shape_cast %get3A_4 : vector<1x128x16000xbf16> to vector<128x16000xbf16>
    %convert_element_type3A_6 = arith.extf %get3A_5 : vector<128x16000xbf16> to vector<128x16000xf32>
    %get3A_7 = arith.constant 0 : index
    %get3A_8 = arith.constant 0 : index
    %get3A_9 = vector.load %arg10[%get3A_7, %get3A_8] : memref<128x1xf32, #tpu.memory_space<vmem>>, vector<128x1xf32>
    %mul3A = vector.broadcast %get3A_9 : vector<128x1xf32> to vector<128x16000xf32>
    %mul3A_10 = arith.mulf %convert_element_type3A_6, %mul3A : vector<128x16000xf32>
    %get3A_11 = arith.constant 0 : index
    %get3A_12 = arith.constant 0 : index
    %get3A_13 = vector.load %arg11[%get3A_11, %get3A_12] : memref<128x1xf32, #tpu.memory_space<vmem>>, vector<128x1xf32>
    %add3A = vector.broadcast %get3A_13 : vector<128x1xf32> to vector<128x16000xf32>
    %add3A_14 = arith.addf %mul3A_10, %add3A : vector<128x16000xf32>
    %max3A = arith.constant 0.000000e+00 : f32
    %max3A_15 = vector.broadcast %max3A : f32 to vector<128x16000xf32>
    %max3A_16 = arith.maximumf %add3A_14, %max3A_15 : vector<128x16000xf32>
    %get3A_17 = arith.constant 0 : index
    %get3A_18 = arith.constant 0 : index
    %get3A_19 = vector.load %arg2[%get3A_17, %get3A_18] : memref<1x128xf32, #tpu.memory_space<vmem>>, vector<1x128xf32>
    %dot_general3A = arith.constant dense<0.000000e+00> : vector<1x16000xf32>
    %dot_general3A_20 = tpu.matmul %get3A_19, %max3A_16, %dot_general3A {dimension_numbers = #tpu.dot_dimension_numbers<[1], [0], [0], [1], [0, 0, 1, 1], [], []>, transpose_lhs_hint = false} : vector<1x128xf32>, vector<128x16000xf32>, vector<1x16000xf32> -> vector<1x16000xf32>
    %reshape3A = vector.shape_cast %dot_general3A_20 : vector<1x16000xf32> to vector<16000xf32>
    %mul3A_21 = arith.constant 16000 : i32
    %mul3A_22 = arith.muli %arg0, %mul3A_21 : i32
    %swap3A = arith.index_cast %mul3A_22 : i32 to index
    %swap3A_23 = vector.load %arg9[%swap3A] : memref<320000xf32, #tpu.memory_space<vmem>>, vector<16000xf32>
    tpu.vector_store %arg9[%swap3A], %reshape3A {strides = array<i32>} : memref<320000xf32, #tpu.memory_space<vmem>>, vector<16000xf32>,
    %reduce_sum3A = vector.shape_cast %dot_general3A_20 : vector<1x16000xf32> to vector<1x1x16000xf32>
    %reduce_sum3A_24 = arith.constant dense<0.000000e+00> : vector<1xf32>
    %reduce_sum3A_25 = vector.multi_reduction <add>, %reduce_sum3A, %reduce_sum3A_24 [1, 2] : vector<1x1x16000xf32> to vector<1xf32>
    %reduce_sum3A_26 = vector.shape_cast %reduce_sum3A_25 : vector<1xf32> to vector<1x1x1xf32>
    %reduce_sum3A_27 = vector.extract %reduce_sum3A_26[0, 0, 0] : f32 from vector<1x1x1xf32>
    %mul3A_28 = arith.mulf %dot_general3A_20, %dot_general3A_20 : vector<1x16000xf32>
    %reduce_sum3A_29 = vector.shape_cast %mul3A_28 : vector<1x16000xf32> to vector<1x1x16000xf32>
    %reduce_sum3A_30 = arith.constant dense<0.000000e+00> : vector<1xf32>
    %reduce_sum3A_31 = vector.multi_reduction <add>, %reduce_sum3A_29, %reduce_sum3A_30 [1, 2] : vector<1x1x16000xf32> to vector<1xf32>
    %reduce_sum3A_32 = vector.shape_cast %reduce_sum3A_31 : vector<1xf32> to vector<1x1x1xf32>
    %reduce_sum3A_33 = vector.extract %reduce_sum3A_32[0, 0, 0] : f32 from vector<1x1x1xf32>
    %eq3A_34 = arith.constant 0 : i32
    %eq3A_35 = arith.cmpi eq, %arg0, %eq3A_34 : i32
    %convert_element_type3A_36 = arith.extui %eq3A_35 : i1 to i32
    %cond3A_37 = arith.constant 0 : i32
    %cond3A_38 = arith.cmpi ne, %convert_element_type3A_36, %cond3A_37 : i32
    scf.if %cond3A_38 {
      %broadcast_in_dim3A = vector.broadcast %reduce_sum3A_27 : f32 to vector<8x128xf32>
      %swap3A_43 = arith.constant 0 : index
      %swap3A_44 = arith.constant 0 : index
      %swap3A_45 = vector.load %arg7[%swap3A_43, %swap3A_44] : memref<8x128xf32, #tpu.memory_space<vmem>>, vector<8x128xf32>
      tpu.vector_store %arg7[%swap3A_43, %swap3A_44], %broadcast_in_dim3A {strides = array<i32>} : memref<8x128xf32, #tpu.memory_space<vmem>>, vector<8x128xf32>,
      %broadcast_in_dim3A_46 = vector.broadcast %reduce_sum3A_33 : f32 to vector<8x128xf32>
      %swap3A_47 = arith.constant 0 : index
      %swap3A_48 = arith.constant 0 : index
      %swap3A_49 = vector.load %arg8[%swap3A_47, %swap3A_48] : memref<8x128xf32, #tpu.memory_space<vmem>>, vector<8x128xf32>
      tpu.vector_store %arg8[%swap3A_47, %swap3A_48], %broadcast_in_dim3A_46 {strides = array<i32>} : memref<8x128xf32, #tpu.memory_space<vmem>>, vector<8x128xf32>,
    } else {
    }
    %ne3A = arith.constant 0 : i32
    %ne3A_39 = arith.cmpi ne, %arg0, %ne3A : i32
    %convert_element_type3A_40 = arith.extui %ne3A_39 : i1 to i32
    %cond3A_41 = arith.constant 0 : i32
    %cond3A_42 = arith.cmpi ne, %convert_element_type3A_40, %cond3A_41 : i32
    scf.if %cond3A_42 {
      %get3A_43 = arith.constant 0 : index
      %get3A_44 = arith.constant 0 : index
      %get3A_45 = vector.load %arg7[%get3A_43, %get3A_44] : memref<8x128xf32, #tpu.memory_space<vmem>>, vector<8x128xf32>
      %broadcast_in_dim3A = vector.broadcast %reduce_sum3A_27 : f32 to vector<8x128xf32>
      %add3A_46 = arith.addf %get3A_45, %broadcast_in_dim3A : vector<8x128xf32>
      %swap3A_47 = arith.constant 0 : index
      %swap3A_48 = arith.constant 0 : index
      %swap3A_49 = vector.load %arg7[%swap3A_47, %swap3A_48] : memref<8x128xf32, #tpu.memory_space<vmem>>, vector<8x128xf32>
      tpu.vector_store %arg7[%swap3A_47, %swap3A_48], %add3A_46 {strides = array<i32>} : memref<8x128xf32, #tpu.memory_space<vmem>>, vector<8x128xf32>,
      %get3A_50 = arith.constant 0 : index
      %get3A_51 = arith.constant 0 : index
      %get3A_52 = vector.load %arg8[%get3A_50, %get3A_51] : memref<8x128xf32, #tpu.memory_space<vmem>>, vector<8x128xf32>
      %broadcast_in_dim3A_53 = vector.broadcast %reduce_sum3A_33 : f32 to vector<8x128xf32>
      %add3A_54 = arith.addf %get3A_52, %broadcast_in_dim3A_53 : vector<8x128xf32>
      %swap3A_55 = arith.constant 0 : index
      %swap3A_56 = arith.constant 0 : index
      %swap3A_57 = vector.load %arg8[%swap3A_55, %swap3A_56] : memref<8x128xf32, #tpu.memory_space<vmem>>, vector<8x128xf32>
      tpu.vector_store %arg8[%swap3A_55, %swap3A_56], %add3A_54 {strides = array<i32>} : memref<8x128xf32, #tpu.memory_space<vmem>>, vector<8x128xf32>,
    } else {
    }
    return
  }
  func.func @transform_0(%arg0: i32) -> (i32, i32, i32) {
    %c0_i32 = arith.constant 0 : i32
    %c0_i32_0 = arith.constant 0 : i32
    %c0_i32_1 = arith.constant 0 : i32
    return %arg0, %c0_i32, %c0_i32_0 : i32, i32, i32
  }
  func.func @transform_1(%arg0: i32) -> (i32, i32) {
    %c0_i32 = arith.constant 0 : i32
    %c0_i32_0 = arith.constant 0 : i32
    %c0_i32_1 = arith.constant 0 : i32
    return %c0_i32, %c0_i32_0 : i32, i32
  }
  func.func @transform_2(%arg0: i32) -> (i32, i32) {
    %c0_i32 = arith.constant 0 : i32
    %c0_i32_0 = arith.constant 0 : i32
    %c0_i32_1 = arith.constant 0 : i32
    return %c0_i32, %c0_i32_0 : i32, i32
  }
  func.func @transform_3(%arg0: i32) -> (i32, i32) {
    %c0_i32 = arith.constant 0 : i32
    %c0_i32_0 = arith.constant 0 : i32
    %c0_i32_1 = arith.constant 0 : i32
    return %c0_i32, %c0_i32_0 : i32, i32
  }
  func.func @transform_4(%arg0: i32) -> (i32, i32) {
    %c0_i32 = arith.constant 0 : i32
    %c0_i32_0 = arith.constant 0 : i32
    %c0_i32_1 = arith.constant 0 : i32
    return %c0_i32, %c0_i32_0 : i32, i32
  }
  func.func @transform_5(%arg0: i32) -> (i32, i32) {
    %c0_i32 = arith.constant 0 : i32
    %c0_i32_0 = arith.constant 0 : i32
    %c0_i32_1 = arith.constant 0 : i32
    return %c0_i32, %c0_i32_0 : i32, i32
  }
  func.func @transform_6(%arg0: i32) -> (i32, i32) {
    %c0_i32 = arith.constant 0 : i32
    %c0_i32_0 = arith.constant 0 : i32
    %c0_i32_1 = arith.constant 0 : i32
    return %c0_i32, %c0_i32_0 : i32, i32
  }
  func.func @transform_7(%arg0: i32) -> (i32, i32) {
    %c0_i32 = arith.constant 0 : i32
    %c0_i32_0 = arith.constant 0 : i32
    %c0_i32_1 = arith.constant 0 : i32
    return %c0_i32, %c0_i32_0 : i32, i32
  }
  func.func @transform_8(%arg0: i32) -> i32 {
    %c0_i32 = arith.constant 0 : i32
    %c0_i32_0 = arith.constant 0 : i32
    return %c0_i32 : i32
  }
}

</mosaic_0001>

<sc_bundles>
// kernel: kernel.5.cloned.1.call-start
scs
__scs_entry_jumppad:
0x0: {  	(pc) =	sbr.rel $0x88, $3  }
0x1: {  	(tag) =	ssettag $0x0;
	lr =	simm.s32 $0x1  }
0x2: {  	[smem:$0x3F99] =	sst lr;
	_ =	strace $0xD0000000  }
0x3: {  	_ = 	snop  }
0x4: {  	_ = 	snop  }
0x5: {  	_ = 	snop  }
0x6: {  	_ = 	snop  }
0x7: {  	_ = 	snop  }
__scs_overlays_trampoline_lowered:
0x8: {  	[smem:$0x3FA8] =	sst s0  }
0x9: {  	[smem:$0x3FA9] =	sst s1  }
0xa: {  	[smem:$0x3FAA] =	sst s2  }
0xb: {  	[smem:$0x3FAB] =	sst s3  }
0xc: {  	[smem:$0x3FAC] =	sst s4  }
0xd: {  	[smem:$0x3FAD] =	sst s5  }
0xe: {  	[smem:$0x3FAE] =	sst s6  }
0xf: {  	[smem:$0x3FAF] =	sst s7  }
0x10: {  	[smem:$0x3FB0] =	sst s8  }
0x11: {  	[smem:$0x3FB1] =	sst s9;
	s0 =	simm.s32 @!p0 $0x0  }
0x12: {  	s1 =	sld [smem:$0x3F97];
	s0 =	simm.s32 @p0 $0x1  }
0x13: {  	[smem:$0x3FB2] =	sst s0;
	s0 =	simm.s32 @!p1 $0x0  }
0x14: {  	s2 =	sld [smem:$0x3F96];
	s0 =	simm.s32 @p1 $0x1  }
0x15: {  	[smem:$0x3FB3] =	sst s0;
	s0 =	simm.s32 @!p2 $0x0  }
0x16: {  	s3 =	sld [smem:$0x3FDB];
	s0 =	simm.s32 @p2 $0x1  }
0x17: {  	s4 =	simm.s32 $0x1BF5;
	[smem:$0x3FB5] =	sst s0  }
0x18: {  	s0 =	sld [smem:$0x3F98];
	_ =	swait.ge [sflag:s4], $0x0  }
0x19: {  	s7 =	sld [smem:$0x3F99]  }
0x1a: {  	s8 =	sadd.s32 $0xFFFFE003, lr  }
0x1b: {  	s9 =	sadd.s32 $0xFFFFFEF7, lr;
	s5 =	simm.s32 $0xFFFFFFFF;
	p2 =	slt.u32 s8, $0xFFFFF086  }
0x1c: {  	p1 =	slt.u32 s9, $0xF7A;
	s5 =	simm.s32 @!p2 $0x0  }
0x1d: {  	s5 =	simm.s32 @p1 $0x1;
	p0 =	seq.s32 s7, s2  }
0x1e: {  	s7 =	smul.u32 @!p0 $0xF7A, s2;
	p2 =	seq.s32 @!p0 s5, $0x0  }
0x1f: {  	s9 =	smul.u32 $0xF7A, s1;
	s8 =	simm.s32 @!p0 $0x1BF5;
	p2 =	por !p2, p0  }
0x20: {  	[sflag:s8] =	ssyncset.s32 @!p0 $0xFFFFF086;
	s6 =	sadd.s32 @!p0 s3, s7;
	s7 =	simm.s32 @!p0 $0x108  }
0x21: {  	s3 =	sadd.s32 s3, s9;
	s6 =	sadd.s32 @!p0 $0x88, s6;
	s7 =	simm.s32 @p2 $0x1082  }
0x22: {  	[simem:s7], [sflag:s8] =	dma.local @!p0 [hbm:s6], $0xF7A  }
0x23: {  	s9 =	sor.u32 $0xD0000000, s2;
	s6 =	simm.s32 $0x108;
	_ =	swait.ge @!p0 [sflag:s8], $0x0  }
0x24: {  	s3 =	sadd.s32 $0x88, s3;
	s6 =	simm.s32 @!p1 $0x1082;
	[sflag:s4] =	ssyncset.s32 $0xFFFFF086  }
0x25: {  	[simem:s6], [sflag:s4] =	dma.local [hbm:s3], $0xF7A  }
0x26: {  	[smem:$0x3F99] =	sst s1;
	(tag) =	ssettag s2;
	_ =	strace s9  }
0x27: {  	s1 =	sld [smem:$0x3FA9]  }
0x28: {  	s2 =	sld [smem:$0x3FAA]  }
0x29: {  	s4 =	sld [smem:$0x3FAC]  }
0x2a: {  	p0 =	seq.s32 s5, $0x0;
	s5 =	sld [smem:$0x3FAD]  }
0x2b: {  	s6 =	sld [smem:$0x3FAE]  }
0x2c: {  	s7 =	sld [smem:$0x3FAF]  }
0x2d: {  	s3 =	simm.s32 $0x108;
	s8 =	sld [smem:$0x3FB0]  }
0x2e: {  	s3 =	simm.s32 @!p0 $0x1082;
	s9 =	sld [smem:$0x3FB1]  }
0x2f: {  	lr =	sadd.s32 s0, s3;
	s0 =	sld [smem:$0x3FA8]  }
0x30: {  	s3 =	sld [smem:$0x3FAB]  }
0x31: {  	[smem:$0x3FB4] =	sst s10  }
0x32: {  	s10 =	sld [smem:$0x3FB2];
	_ =	sdelay $0x3  }
0x33: {  	p0 =	seq.s32 s10, $0x1;
	s10 =	sld [smem:$0x3FB4];
	_ =	sdelay $0x3  }
0x34: {  	[smem:$0x3FB4] =	sst s10  }
0x35: {  	s10 =	sld [smem:$0x3FB3];
	_ =	sdelay $0x3  }
0x36: {  	p1 =	seq.s32 s10, $0x1;
	s10 =	sld [smem:$0x3FB4];
	_ =	sdelay $0x3  }
0x37: {  	[smem:$0x3FB4] =	sst s10  }
0x38: {  	s10 =	sld [smem:$0x3FB5]  }
0x39: {  	_ = 	snop;
	(pc) =	sbr.ind lr, $3  }
0x3a: {  	_ = 	snop  }
0x3b: {  	_ = 	snop  }
0x3c: {  	p2 =	seq.s32 s10, $0x1;
	s10 =	sld [smem:$0x3FB4]  }
0x3d: {  	_ =	shalt  }
0x3e: {  	_ =	shalt  }
0x3f: {  	_ =	shalt  }
0x40: {  	_ =	shalt  }
0x41: {  	_ =	shalt  }
0x42: {  	_ =	shalt  }
0x43: {  	_ =	shalt  }
0x44: {  	_ =	shalt  }
0x45: {  	_ =	shalt  }
0x46: {  	_ =	shalt  }
0x47: {  	_ =	shalt  }
0x48: {  	_ =	shalt  }
0x49: {  	_ =	shalt  }
0x4a: {  	_ =	shalt  }
0x4b: {  	_ =	shalt  }
0x4c: {  	_ =	shalt  }
0x4d: {  	_ =	shalt  }
0x4e: {  	_ =	shalt  }
0x4f: {  	_ =	shalt  }
0x50: {  	_ =	shalt  }
0x51: {  	_ =	shalt  }
0x52: {  	_ =	shalt  }
0x53: {  	_ =	shalt  }
0x54: {  	_ =	shalt  }
0x55: {  	_ =	shalt  }
0x56: {  	_ =	shalt  }
0x57: {  	_ =	shalt  }
0x58: {  	_ =	shalt  }
0x59: {  	_ =	shalt  }
0x5a: {  	_ =	shalt  }
0x5b: {  	_ =	shalt  }
0x5c: {  	_ =	shalt  }
0x5d: {  	_ =	shalt  }
0x5e: {  	_ =	shalt  }
0x5f: {  	_ =	shalt  }
0x60: {  	_ =	shalt  }
0x61: {  	_ =	shalt  }
0x62: {  	_ =	shalt  }
0x63: {  	_ =	shalt  }
0x64: {  	_ =	shalt  }
0x65: {  	_ =	shalt  }
0x66: {  	_ =	shalt  }
0x67: {  	_ =	shalt  }
0x68: {  	_ =	shalt  }
0x69: {  	_ =	shalt  }
0x6a: {  	_ =	shalt  }
0x6b: {  	_ =	shalt  }
0x6c: {  	_ =	shalt  }
0x6d: {  	_ =	shalt  }
0x6e: {  	_ =	shalt  }
0x6f: {  	_ =	shalt  }
0x70: {  	_ =	shalt  }
0x71: {  	_ =	shalt  }
0x72: {  	_ =	shalt  }
0x73: {  	_ =	shalt  }
0x74: {  	_ =	shalt  }
0x75: {  	_ =	shalt  }
0x76: {  	_ =	shalt  }
0x77: {  	_ =	shalt  }
0x78: {  	_ =	shalt  }
0x79: {  	_ =	shalt  }
0x7a: {  	_ =	shalt  }
0x7b: {  	_ =	shalt  }
0x7c: {  	_ =	shalt  }
0x7d: {  	_ =	shalt  }
0x7e: {  	_ =	shalt  }
0x7f: {  	_ =	shalt  }
0x80: {  	_ =	shalt  }
0x81: {  	_ =	shalt  }
0x82: {  	_ =	shalt  }
0x83: {  	_ =	shalt  }
0x84: {  	_ =	shalt  }
0x85: {  	_ =	shalt  }
0x86: {  	_ =	shalt  }
0x87: {  	_ =	shalt  }
.Lfunc_end0:
.L_simem_size_0:
called_computation_lowered:
.L_overlay_start_0:
0x88: {  	s2 =	sld [smem:$0x3FD9]  }
0x89: {  	s3 =	sld [smem:$0x3FFE];
	_ =	sdelay $0x1  }
0x8a: {  	s1 =	srdreg.scid  }
0x8b: {  	s0 =	sand.u32 $0x1, s1  }
0x8c: {  	s16 =	sshll.u32 s0, $0xA;
	s2 =	sadd.s32 s3, s2  }
0x8d: {  	s2 =	sadd.s32 s2, s16  }
0x8e: {  	[smem:$0x3FC0] =	sst s2  }
0x8f: {  	_ = 	snop  }
0x90: {  	(tm) =	ssettm $0x1  }
0x91: {  	s17 =	sld [smem:$0x3FFB];
	_ =	sdelay $0x3  }
0x92: {  	_ =	strace s17  }
0x93: {  	s2 =	sld [smem:$0x3FFC];
	_ =	sdelay $0x3  }
0x94: {  	_ =	strace s2  }
0x95: {  	s2 =	sld [smem:$0x3FFD];
	_ =	sdelay $0x3  }
0x96: {  	_ =	strace s2  }
0x97: {  	_ =	strace $0x8FFFFFFF  }
0x98: {  	s18 =	sld [smem:$0x3FDB];
	_ =	sdelay $0x1  }
0x99: {  	s19 =	simm.s32 $_scs_section_size  }
0x9a: {  	s4 =	simm.s32 $_size__tile_overlayer_lowered;
	s5 =	simm.s32 $_tile_overlayer_lowered  }
0x9b: {  	s22 =	simm.s32 $0x1BFF;
	s21 =	sshll.u32 s5, $0x1;
	s2 =	sadd.s32 s19, s18  }
0x9c: {  	s6 =	simm.s32 $0x0;
	s20 =	sshll.u32 s4, $0x1;
	s4 =	sadd.s32 s21, s2  }
0x9d: {  	[timem:s6], [sflag:s22] =	dma.local [hbm:s4], s20  }
0x9e: {  	_ =	swait.ge [sflag:s22], s20  }
0x9f: {  	s3 =	ssub.s32 $0x0, s20;
	[sflag:s22] =	ssyncset.done $0x0  }
0xa0: {  	[sflag:s22] =	ssyncadd.s32 s3;
	_ =	sdelay $0x1  }
0xa1: {  	s23 =	simm.s32 $0x1B8B  }
0xa2: {  	_ =	swait.ge [sflag:s23], $0x1  }
0xa3: {  	[sflag:s23] =	ssyncset.done $0x0  }
0xa4: {  	s25 =	simm.s32 $0x1B8E;
	s24 =	sld [smem:$0x3FFE];
	[sflag:s23] =	ssyncadd.s32 $0xFFFFFFFF  }
0xa5: {  	s26 =	simm.s32 $execute0_lowered;
	[smem:$0x3FD2] =	sst s25  }
0xa6: {  	s4 =	sshll.u32 s26, $0x1;
	_ =	strace $0x80000046;
	[dreg:$0x1] =	wrdreg $0xFFFFFFFF  }
0xa7: {  	s28 =	simm.s32 $_size_execute0_lowered;
	s2 =	sadd.s32 s2, s4;
	[dreg:$0x0] =	wrdreg $0x0  }
0xa8: {  	s4 =	sshll.u32 s28, $0x1;
	[dreg:$0x2] =	wrdreg s2  }
0xa9: {  	[dreg:$0x3] =	wrdreg s4  }
0xaa: {  	[dreg:$0x4] =	wrdreg $0xC0  }
0xab: {  	_ =	task [dreg:s6], $0x5FFFF  }
0xac: {  	[dreg:$0x1] =	wrdreg $0xFFFFFFFF  }
0xad: {  	[dreg:$0x0] =	wrdreg $0x60  }
0xae: {  	[dreg:$0x2] =	wrdreg s24  }
0xaf: {  	[dreg:$0x3] =	wrdreg $0x9  }
0xb0: {  	_ =	task.clear_ibuf [dreg:s6], $0x4FFFF;
	_ =	strace $0x90000046  }
0xb1: {  	s29 =	simm.s32 $0x9;
	_ =	strace $0x80000048  }
0xb2: {  	_ =	swait.ge [sflag:s29], $0x1  }
0xb3: {  	[sflag:s29] =	ssyncadd.s32 $0xFFFFFFFF  }
0xb4: {  	_ =	strace $0x90000048  }
0xb5: {  	_ =	sfence  }
0xb6: {  	s30 =	sld [smem:$0x0];
	_ =	sdelay $0x2  }
0xb7: {  	s31 =	sshll.u32 s1, $0xD;
	s1 =	sshrl.u32 s1, $0x2  }
0xb8: {  	s3 =	sand.u32 $0x4000, s31;
	s1 =	sadd.s32 s1, s30  }
0xb9: {  	s0 =	sor.u32 s3, s0;
	s1 =	sshll.u32 s1, $0x11  }
0xba: {  	s0 =	sor.u32 s1, s0  }
0xbb: {  	s0 =	sadd.s32 $0x8F2B, s0  }
0xbc: {  	[sflag:s0] =	ssyncadd.remote.s32 $0x1  }
0xbd: {  	_ =	sfence.sel $0xFFFF  }
0xbe: {  	[dreg:$0x0] =	wrdreg $0xFFFFFFFF;
	(pc) =	sbr.abs _section_cstart, $3  }
0xbf: {  	[dreg:$0x1] =	wrdreg $0xFFFFFFFF  }
0xc0: {  	_ =	task.clear_ibuf [dreg:s6], $0x2FFFF;
	_ =	strace $0x9FFFFFFF  }
0xc1: {  	(tm) =	ssettm $0x7FFFFFFF  }
tec
execute0_lowered:
.L_overlay_start_1:
0x0: {  	(tag) =	ssettag $0x1  }
0x1: {  	s1 =	srdreg.scid  }
0x2: {  	s0 =	stileid.u32;
	s3 =	rddreg [dreg:$0x0]  }
0x3: {  	s2 =	simm.s32 $0x0;
	s8 =	simm.s32 $0x1;
	s9 =	simm.s32 $0x2  }
0x4: {  	s10 =	simm.s32 $0x4F00;
	s4 =	sand.u32 $0x1, s1;
	s5 =	sshll.u32 s0, $0x1  }
0x5: {  	s11 =	simm.s32 $0x3;
	s1 =	rddreg [dreg:$0x1];
	s5 =	sor.u32 s4, s5  }
0x6: {  	s12 =	simm.s32 $0x0;
	[smem:$0x7FF] =	sst s2;
	s6 =	smul.u32 $0x4E2, s5  }
0x7: {  	_ =	strace $0x80000047;
	s4 =	ssub.s32 $0x2, s4;
	s5 =	sshll.u32 s5, $0x4  }
0x8: {  	s7 =	sshrl.u32 s4, $0x1;
	s5 =	sadd.s32 s5, s3;
	s6 =	sadd.s32 s6, s3  }
0x9: {  	s7 =	ssub.s32 s4, s7;
	s5 =	sadd.s32 $0xAA00, s5;
	s3 =	sadd.s32 $0x271C00, s6  }
0xa: {  	s4 =	sadd.s32 $0xC00, s6;
	s6 =	smax.u32 s7, $0x1;
	s7 =	simm.s32 $0x2780  }
.LBB2_1:
0xb: {  	[tilespmem:s2], [sflag:$0x1] =	stream.linear.gather [hbm4b:s3+s2], $0x2720, $0x38;
	[tilespmem:$0x4F80] =	vst v63  }
0xc: {  	_ = 	snop  }
0xd: {  	[tilespmem:s7], [sflag:$0x2] =	stream.linear.gather [hbm4b:s4+s2], $0x2710, $0x38;
	[tilespmem:$0x4F80] =	vst v63  }
0xe: {  	_ =	swait.ge [sflag:s8], $0x2720  }
0xf: {  	[sflag:s8] =	ssyncset.done $0x0  }
0x10: {  	[sflag:s8] =	ssyncadd.s32 $0xFFFFD8E0  }
0x11: {  	_ =	swait.ge [sflag:s9], $0x2710  }
0x12: {  	[sflag:s9] =	ssyncset.done $0x0  }
0x13: {  	s13 =	simm.s32 $0xC1;
	[sflag:s9] =	ssyncadd.s32 $0xFFFFD8F0  }
0x14: {  	v0 =	vld [tilespmem:s13+$0xC0]  }
0x15: {  	v2 =	vld [tilespmem:s13+$0xAF]  }
0x16: {  	v1 =	vld [tilespmem:s13+$0x9F]  }
0x17: {  	v3 =	vld [tilespmem:s13+$0x8F]  }
0x18: {  	v4 =	vld [tilespmem:s13+$0x7F]  }
0x19: {  	v5 =	vld [tilespmem:s13+$0x6F]  }
0x1a: {  	v6 =	vld [tilespmem:s13+$0x5F]  }
0x1b: {  	v7 =	vld [tilespmem:s13+$0x4F]  }
0x1c: {  	v8 =	vld [tilespmem:s13+$0x40]  }
0x1d: {  	v9 =	vld [tilespmem:s13+$0x2F]  }
0x1e: {  	v10 =	vld [tilespmem:s13+$0x1F]  }
0x1f: {  	v11 =	vld [tilespmem:s13+$0xF]  }
0x20: {  	v12 =	vld [tilespmem:s13+$0xFFFFFFFF]  }
0x21: {  	v13 =	vld [tilespmem:s13+$0xFFFFFFEF]  }
0x22: {  	v14 =	vld [tilespmem:s13+$0xFFFFFFDF]  }
0x23: {  	v15 =	vld [tilespmem:s13+$0xFFFFFFCF]  }
0x24: {  	v16 =	vld [tilespmem:s13+$0xFFFFFFC0]  }
0x25: {  	v17 =	vld [tilespmem:s13+$0xFFFFFFAF]  }
0x26: {  	v18 =	vld [tilespmem:s13+$0xFFFFFF9F]  }
0x27: {  	v19 =	vld [tilespmem:s13+$0xFFFFFF8F]  }
0x28: {  	v20 =	vld [tilespmem:s13+$0xFFFFFF7F]  }
0x29: {  	v21 =	vld [tilespmem:s13+$0xFFFFFF6F]  }
0x2a: {  	v23 =	vld [tilespmem:s13+$0xFFFFFF5F]  }
0x2b: {  	v24 =	vld [tilespmem:s13+$0xFFFFFF4F]  }
0x2c: {  	v25 =	vld [tilespmem:s13+$0xFFFFFF3F]  }
0x2d: {  	s14 =	simm.s32 $0x2840;
	v26 =	vld [tilespmem:s13+$0xFFFFFF40]  }
0x2e: {  	v22 =	vimm.f32 $-Inf;
	s16 =	simm.s32 $0x190;
	s15 =	simm.s32 $0x0;
	v27 =	vld [tilespmem:s14+$0xFFFFFF40]  }
.LBB2_2:
0x2f: {  	p0 =	sne.s32 s16, $0x2580;
	v28 =	vld [tilespmem:s13+$0xFFFFFF50]  }
0x30: {  	v29 =	vld [tilespmem:s14+$0xFFFFFF50]  }
0x31: {  	v30 =	vld [tilespmem:s13+$0xFFFFFF60]  }
0x32: {  	v31 =	vld [tilespmem:s14+$0xFFFFFF60]  }
0x33: {  	vm0 =	veq.s32 v25, v26;
	v25 =	vmax.f32 v22, v27;
	v26 =	vld [tilespmem:s13+$0xFFFFFF70]  }
0x34: {  	v22 =	vsel vm0, v22, v25;
	v25 =	vld [tilespmem:s14+$0xFFFFFF70]  }
0x35: {  	vm0 =	veq.s32 v24, v28;
	v24 =	vmax.f32 v22, v29;
	v27 =	vld [tilespmem:s13+$0xFFFFFF80]  }
0x36: {  	v22 =	vsel vm0, v22, v24;
	v24 =	vld [tilespmem:s14+$0xFFFFFF80]  }
0x37: {  	vm0 =	veq.s32 v23, v30;
	v23 =	vmax.f32 v22, v31;
	v28 =	vld [tilespmem:s13+$0xFFFFFF90]  }
0x38: {  	v22 =	vsel vm0, v22, v23;
	v23 =	vld [tilespmem:s14+$0xFFFFFF90]  }
0x39: {  	vm0 =	veq.s32 v21, v26;
	v21 =	vmax.f32 v22, v25;
	v25 =	vld [tilespmem:s13+$0xFFFFFFA0]  }
0x3a: {  	v21 =	vsel vm0, v22, v21;
	v22 =	vld [tilespmem:s14+$0xFFFFFFA0]  }
0x3b: {  	vm0 =	veq.s32 v20, v27;
	v20 =	vmax.f32 v21, v24;
	v24 =	vld [tilespmem:s13+$0xFFFFFFB0]  }
0x3c: {  	s17 =	sand.u32 $0x3FF0, s15;
	s15 =	smov.u32 s16;
	v20 =	vsel vm0, v21, v20;
	v21 =	vld [tilespmem:s14+$0xFFFFFFB0]  }
0x3d: {  	vm0 =	veq.s32 v19, v28;
	v19 =	vmax.f32 v20, v23;
	v23 =	vld [tilespmem:s17+$0x80]  }
0x3e: {  	v19 =	vsel vm0, v20, v19;
	v20 =	vld [tilespmem:s17+$0x2800]  }
0x3f: {  	vm0 =	veq.s32 v18, v25;
	v18 =	vmax.f32 v19, v22;
	v22 =	vld [tilespmem:s13+$0xFFFFFFD0]  }
0x40: {  	v18 =	vsel vm0, v19, v18;
	v19 =	vld [tilespmem:s14+$0xFFFFFFD0]  }
0x41: {  	vm0 =	veq.s32 v17, v24;
	v17 =	vmax.f32 v18, v21;
	v21 =	vld [tilespmem:s13+$0xFFFFFFE0]  }
0x42: {  	v17 =	vsel vm0, v18, v17;
	v18 =	vld [tilespmem:s14+$0xFFFFFFE0]  }
0x43: {  	vm0 =	veq.s32 v23, v16;
	v16 =	vmax.f32 v17, v20;
	v20 =	vld [tilespmem:s13+$0xFFFFFFF0]  }
0x44: {  	v16 =	vsel vm0, v17, v16;
	v17 =	vld [tilespmem:s14+$0xFFFFFFF0]  }
0x45: {  	vm0 =	veq.s32 v15, v22;
	v15 =	vmax.f32 v16, v19;
	v19 =	vld [tilespmem:s13+$0x0]  }
0x46: {  	v15 =	vsel vm0, v16, v15;
	v16 =	vld [tilespmem:s14+$0x0]  }
0x47: {  	vm0 =	veq.s32 v14, v21;
	v14 =	vmax.f32 v15, v18;
	v18 =	vld [tilespmem:s13+$0x10]  }
0x48: {  	v14 =	vsel vm0, v15, v14;
	v15 =	vld [tilespmem:s14+$0x10]  }
0x49: {  	vm0 =	veq.s32 v13, v20;
	v13 =	vmax.f32 v14, v17;
	v17 =	vld [tilespmem:s13+$0x20]  }
0x4a: {  	v13 =	vsel vm0, v14, v13;
	v14 =	vld [tilespmem:s14+$0x20]  }
0x4b: {  	vm0 =	veq.s32 v12, v19;
	v12 =	vmax.f32 v13, v16;
	v16 =	vld [tilespmem:s13+$0x30]  }
0x4c: {  	v12 =	vsel vm0, v13, v12;
	v13 =	vld [tilespmem:s14+$0x30]  }
0x4d: {  	vm0 =	veq.s32 v11, v18;
	v11 =	vmax.f32 v12, v15;
	v15 =	vld [tilespmem:s17+$0x100]  }
0x4e: {  	v11 =	vsel vm0, v12, v11;
	v12 =	vld [tilespmem:s17+$0x2880]  }
0x4f: {  	vm0 =	veq.s32 v10, v17;
	v10 =	vmax.f32 v11, v14;
	v14 =	vld [tilespmem:s13+$0x50]  }
0x50: {  	v10 =	vsel vm0, v11, v10;
	v11 =	vld [tilespmem:s14+$0x50]  }
0x51: {  	vm0 =	veq.s32 v9, v16;
	v9 =	vmax.f32 v10, v13;
	v13 =	vld [tilespmem:s13+$0x60]  }
0x52: {  	v9 =	vsel vm0, v10, v9;
	v10 =	vld [tilespmem:s14+$0x60]  }
0x53: {  	vm0 =	veq.s32 v15, v8;
	v8 =	vmax.f32 v9, v12;
	v12 =	vld [tilespmem:s13+$0x70]  }
0x54: {  	v8 =	vsel vm0, v9, v8;
	v9 =	vld [tilespmem:s14+$0x70]  }
0x55: {  	vm0 =	veq.s32 v7, v14;
	v7 =	vmax.f32 v8, v11;
	v11 =	vld [tilespmem:s13+$0x80]  }
0x56: {  	v7 =	vsel vm0, v8, v7;
	v8 =	vld [tilespmem:s14+$0x80]  }
0x57: {  	vm0 =	veq.s32 v6, v13;
	v6 =	vmax.f32 v7, v10;
	v10 =	vld [tilespmem:s13+$0x90]  }
0x58: {  	v6 =	vsel vm0, v7, v6;
	v7 =	vld [tilespmem:s14+$0x90]  }
0x59: {  	vm0 =	veq.s32 v5, v12;
	v5 =	vmax.f32 v6, v9;
	v9 =	vld [tilespmem:s13+$0xA0]  }
0x5a: {  	v5 =	vsel vm0, v6, v5;
	v6 =	vld [tilespmem:s14+$0xA0]  }
0x5b: {  	vm0 =	veq.s32 v4, v11;
	v4 =	vmax.f32 v5, v8;
	v8 =	vld [tilespmem:s13+$0xB0]  }
0x5c: {  	v4 =	vsel vm0, v5, v4;
	v5 =	vld [tilespmem:s14+$0xB0]  }
0x5d: {  	vm0 =	veq.s32 v3, v10;
	v3 =	vmax.f32 v4, v7;
	v7 =	vld [tilespmem:s17+$0x180]  }
0x5e: {  	s13 =	sadd.s32 $0x190, s13;
	v3 =	vsel vm0, v4, v3;
	v10 =	vld [tilespmem:s17+$0x2900]  }
0x5f: {  	vm0 =	veq.s32 v1, v9;
	v11 =	vld [tilespmem:s13+$0xC0];
	v1 =	vmax.f32 v3, v6  }
0x60: {  	v9 =	vld [tilespmem:s13+$0xAF];
	v4 =	vsel vm0, v3, v1  }
0x61: {  	vm0 =	veq.s32 v2, v8;
	v1 =	vld [tilespmem:s13+$0x9F];
	v2 =	vmax.f32 v4, v5  }
0x62: {  	v3 =	vld [tilespmem:s13+$0x8F];
	v2 =	vsel vm0, v4, v2  }
0x63: {  	vm0 =	veq.s32 v7, v0;
	v4 =	vld [tilespmem:s13+$0x7F];
	v6 =	vmax.f32 v2, v10  }
0x64: {  	v5 =	vld [tilespmem:s13+$0x6F];
	v22 =	vsel vm0, v2, v6;
	v0 =	vmov v11  }
0x65: {  	v6 =	vld [tilespmem:s13+$0x5F];
	v2 =	vmov v9  }
0x66: {  	v7 =	vld [tilespmem:s13+$0x4F]  }
0x67: {  	v8 =	vld [tilespmem:s13+$0x40]  }
0x68: {  	v9 =	vld [tilespmem:s13+$0x2F]  }
0x69: {  	v10 =	vld [tilespmem:s13+$0x1F]  }
0x6a: {  	v11 =	vld [tilespmem:s13+$0xF]  }
0x6b: {  	v12 =	vld [tilespmem:s13+$0xFFFFFFFF]  }
0x6c: {  	v13 =	vld [tilespmem:s13+$0xFFFFFFEF]  }
0x6d: {  	v14 =	vld [tilespmem:s13+$0xFFFFFFDF]  }
0x6e: {  	v15 =	vld [tilespmem:s13+$0xFFFFFFCF]  }
0x6f: {  	v16 =	vld [tilespmem:s13+$0xFFFFFFC0]  }
0x70: {  	v17 =	vld [tilespmem:s13+$0xFFFFFFAF]  }
0x71: {  	v18 =	vld [tilespmem:s13+$0xFFFFFF9F]  }
0x72: {  	v19 =	vld [tilespmem:s13+$0xFFFFFF8F]  }
0x73: {  	v20 =	vld [tilespmem:s13+$0xFFFFFF7F]  }
0x74: {  	v21 =	vld [tilespmem:s13+$0xFFFFFF6F]  }
.Ltmp0:
0x75: {  	v23 =	vld [tilespmem:s13+$0xFFFFFF5F];
	(pc) =	sbr.rel @p0 .LBB2_2-.Ltmp0, $4  }
0x76: {  	v24 =	vld [tilespmem:s13+$0xFFFFFF4F]  }
0x77: {  	v25 =	vld [tilespmem:s13+$0xFFFFFF3F]  }
0x78: {  	s14 =	sadd.s32 $0x190, s14;
	v26 =	vld [tilespmem:s13+$0xFFFFFF40]  }
0x79: {  	s16 =	sadd.s32 $0x190, s16;
	v27 =	vld [tilespmem:s14+$0xFFFFFF40]  }
0x7a: {  	v28 =	vld [tilespmem:s13+$0xFFFFFF50]  }
0x7b: {  	v29 =	vld [tilespmem:s14+$0xFFFFFF50]  }
0x7c: {  	v30 =	vld [tilespmem:s13+$0xFFFFFF60]  }
0x7d: {  	v31 =	vld [tilespmem:s14+$0xFFFFFF60]  }
0x7e: {  	v38 =	vld [tilespmem:s13+$0xFFFFFF70];
	vm0 =	veq.s32 v25, v26;
	v37 =	vmax.f32 v22, v27  }
0x7f: {  	v39 =	vld [tilespmem:s14+$0xFFFFFF70];
	v22 =	vsel vm0, v22, v37  }
0x80: {  	v41 =	vld [tilespmem:s13+$0xFFFFFF80];
	vm4 =	veq.s32 v24, v28;
	v40 =	vmax.f32 v22, v29  }
0x81: {  	v42 =	vld [tilespmem:s14+$0xFFFFFF80];
	v22 =	vsel vm4, v22, v40  }
0x82: {  	v44 =	vld [tilespmem:s13+$0xFFFFFF90];
	vm5 =	veq.s32 v23, v30;
	v43 =	vmax.f32 v22, v31  }
0x83: {  	v45 =	vld [tilespmem:s14+$0xFFFFFF90];
	v22 =	vsel vm5, v22, v43  }
0x84: {  	v47 =	vld [tilespmem:s13+$0xFFFFFFA0];
	vm6 =	veq.s32 v21, v38;
	v46 =	vmax.f32 v22, v39  }
0x85: {  	v48 =	vld [tilespmem:s14+$0xFFFFFFA0];
	v21 =	vsel vm6, v22, v46  }
0x86: {  	v50 =	vld [tilespmem:s13+$0xFFFFFFB0];
	vm7 =	veq.s32 v20, v41;
	v49 =	vmax.f32 v21, v42  }
0x87: {  	v51 =	vld [tilespmem:s14+$0xFFFFFFB0];
	s15 =	sand.u32 $0x3FF0, s15;
	v20 =	vsel vm7, v21, v49  }
0x88: {  	v53 =	vld [tilespmem:s15+$0x80];
	vm8 =	veq.s32 v19, v44;
	v52 =	vmax.f32 v20, v45  }
0x89: {  	v54 =	vld [tilespmem:s15+$0x2800];
	v19 =	vsel vm8, v20, v52  }
0x8a: {  	v56 =	vld [tilespmem:s13+$0xFFFFFFD0];
	vm9 =	veq.s32 v18, v47;
	v55 =	vmax.f32 v19, v48  }
0x8b: {  	v57 =	vld [tilespmem:s14+$0xFFFFFFD0];
	v18 =	vsel vm9, v19, v55  }
0x8c: {  	v59 =	vld [tilespmem:s13+$0xFFFFFFE0];
	vm10 =	veq.s32 v17, v50;
	v58 =	vmax.f32 v18, v51  }
0x8d: {  	v60 =	vld [tilespmem:s14+$0xFFFFFFE0];
	v17 =	vsel vm10, v18, v58  }
0x8e: {  	v62 =	vld [tilespmem:s13+$0xFFFFFFF0];
	vm11 =	veq.s32 v53, v16;
	v61 =	vmax.f32 v17, v54  }
0x8f: {  	v63 =	vld [tilespmem:s14+$0xFFFFFFF0];
	v16 =	vsel vm11, v17, v61  }
0x90: {  	vm12 =	veq.s32 v15, v56;
	v23 =	vld [tilespmem:s13+$0x0];
	v22 =	vmax.f32 v16, v57  }
0x91: {  	v24 =	vld [tilespmem:s14+$0x0];
	v15 =	vsel vm12, v16, v22  }
0x92: {  	v26 =	vld [tilespmem:s13+$0x10];
	vm13 =	veq.s32 v14, v59;
	v25 =	vmax.f32 v15, v60  }
0x93: {  	v27 =	vld [tilespmem:s14+$0x10];
	v14 =	vsel vm13, v15, v25  }
0x94: {  	vm14 =	veq.s32 v13, v62;
	v30 =	vld [tilespmem:s14+$0x20];
	v28 =	vmax.f32 v14, v63  }
0x95: {  	v29 =	vld [tilespmem:s13+$0x20];
	v13 =	vsel vm14, v14, v28  }
0x96: {  	v32 =	vld [tilespmem:s13+$0x30];
	vm15 =	veq.s32 v12, v23;
	v31 =	vmax.f32 v13, v24  }
0x97: {  	v33 =	vld [tilespmem:s14+$0x30];
	v12 =	vsel vm15, v13, v31  }
0x98: {  	v35 =	vld [tilespmem:s15+$0x100];
	vm4 =	veq.s32 v11, v26;
	v34 =	vmax.f32 v12, v27  }
0x99: {  	v36 =	vld [tilespmem:s15+$0x2880];
	v11 =	vsel vm4, v12, v34  }
0x9a: {  	v38 =	vld [tilespmem:s13+$0x50];
	vm5 =	veq.s32 v10, v29;
	v37 =	vmax.f32 v11, v30  }
0x9b: {  	v39 =	vld [tilespmem:s14+$0x50];
	v10 =	vsel vm5, v11, v37  }
0x9c: {  	v41 =	vld [tilespmem:s13+$0x60];
	vm6 =	veq.s32 v9, v32;
	v40 =	vmax.f32 v10, v33  }
0x9d: {  	v42 =	vld [tilespmem:s14+$0x60];
	v9 =	vsel vm6, v10, v40  }
0x9e: {  	v44 =	vld [tilespmem:s13+$0x70];
	vm7 =	veq.s32 v35, v8;
	v43 =	vmax.f32 v9, v36  }
0x9f: {  	v45 =	vld [tilespmem:s14+$0x70];
	v8 =	vsel vm7, v9, v43  }
0xa0: {  	v47 =	vld [tilespmem:s13+$0x80];
	vm8 =	veq.s32 v7, v38;
	v46 =	vmax.f32 v8, v39  }
0xa1: {  	v48 =	vld [tilespmem:s14+$0x80];
	v7 =	vsel vm8, v8, v46  }
0xa2: {  	v50 =	vld [tilespmem:s13+$0x90];
	vm9 =	veq.s32 v6, v41;
	v49 =	vmax.f32 v7, v42  }
0xa3: {  	v51 =	vld [tilespmem:s14+$0x90];
	v6 =	vsel vm9, v7, v49  }
0xa4: {  	v53 =	vld [tilespmem:s13+$0xA0];
	vm10 =	veq.s32 v5, v44;
	v52 =	vmax.f32 v6, v45  }
0xa5: {  	v54 =	vld [tilespmem:s14+$0xA0];
	v5 =	vsel vm10, v6, v52  }
0xa6: {  	v56 =	vld [tilespmem:s13+$0xB0];
	vm11 =	veq.s32 v4, v47;
	v55 =	vmax.f32 v5, v48  }
0xa7: {  	v57 =	vld [tilespmem:s14+$0xB0];
	v4 =	vsel vm11, v5, v55  }
0xa8: {  	v59 =	vld [tilespmem:s15+$0x180];
	vm12 =	veq.s32 v3, v50;
	v58 =	vmax.f32 v4, v51  }
0xa9: {  	v60 =	vld [tilespmem:s15+$0x2900];
	v3 =	vsel vm12, v4, v58  }
0xaa: {  	vm13 =	veq.s32 v1, v53;
	v61 =	vmax.f32 v3, v54  }
0xab: {  	v1 =	vsel vm13, v3, v61  }
0xac: {  	vm14 =	veq.s32 v2, v56;
	v62 =	vmax.f32 v1, v57  }
0xad: {  	v1 =	vsel vm14, v1, v62  }
0xae: {  	s12 =	sadd.s32 $0x1, s12;
	vm15 =	veq.s32 v59, v0;
	v63 =	vmax.f32 v1, v60  }
0xaf: {  	p0 =	sne.s32 s12, s6;
	v0 =	vsel vm15, v1, v63  }
.Ltmp1:
0xb0: {  	[tilespmem:$0x4F00] =	vst v0;
	(pc) =	sbr.rel @p0 .LBB2_1-.Ltmp1, $4  }
0xb1: {  	[hbm4b:s5+s2] =	stream.linear.scatter [tilespmem:s10], [sflag:$0x3], $0x80, $0x38;
	[tilespmem:$0x4F80] =	vst v63  }
0xb2: {  	_ =	swait.ge [sflag:s11], $0x80  }
0xb3: {  	[sflag:s11] =	ssyncset.done $0x0  }
0xb4: {  	[sflag:s11] =	ssyncadd.s32 $0xFFFFFF80  }
0xb5: {  	_ =	sfence.sel $0x180000  }
0xb6: {  	[bflag:$0x0] =	sbarrier.arrive $0xFFFF  }
0xb7: {  	p0 =	sne.s32 s0, $0x0;
	_ =	strace $0x90000047  }
0xb8: {  	s0 =	sadd.s32 @!p0 $0x100000, s1;
	[bflag:$0x2] =	sbarrier.arrive $0xFFFF  }
0xb9: {  	[sflag:s0] =	ssyncadd.tile.s32 @!p0 $0x1;
	_ =	shalt  }
.Lfunc_end2:
_tile_overlayer_lowered:
.L_overlay_start_2:
0xba: {  	(tag) =	ssettag $0x2  }
0xbb: {  	s0 =	rddreg [dreg:$0x0];
	s2 =	stileid.u32  }
0xbc: {  	s1 =	rddreg [dreg:$0x1];
	p0 =	sne.s32 s2, $0x0  }
0xbd: {  	s3 =	rddreg [dreg:$0x2];
	[bflag:$0x3] =	sbarrier.arrive $0xFFFF;
	s2 =	simm.s32 @!p0 $0x1C03  }
0xbe: {  	[timem:s3], [sflag:s2] =	dma.local @!p0 [hbm:s0], s1  }
0xbf: {  	s0 =	simm.s32 @!p0 $0x3  }
0xc0: {  	_ =	swait.ge @!p0 [sflag:s0], s1  }
0xc1: {  	s1 =	ssub.s32 @!p0 $0x0, s1;
	[sflag:s0] =	ssyncset.done @!p0 $0x0  }
0xc2: {  	[sflag:s0] =	ssyncadd.s32 @!p0 s1  }
0xc3: {  	[bflag:$0x3] =	sbarrier.arrive $0xFFFF  }
0xc4: {  	_ =	shalt  }

</sc_bundles>
